<compile_context>
chip_gen: v7x
topology: tpu7x:2x2x1
jax: 0.10.2.dev20260603
libtpu: 0.0.44.dev20260713+nightly
codegen_flags: <defaults>
</compile_context>

<pallas_src>
import functools

import jax
import jax.numpy as jnp
from jax import lax
from jax.experimental import pallas as pl
from jax.experimental.pallas import tpu as pltpu
from jax.experimental.pallas import tpu_sc as plsc

B = 4096
DEG = 50
DEGP = 56
D = 64
NC = 2
NS = 16
NW = NC * NS
IDX_W = 128
ROWS_PER_W = (B * DEGP) // NW // IDX_W
EPW = ROWS_PER_W * IDX_W
NBUF = 3
GROUP = 4
GROWS = GROUP * IDX_W
NG = ROWS_PER_W // GROUP
UPW = B // NW

BB = 512
NBLK = BB * DEGP


def _sc_gather(item_emb, idx2, user_emb, nodes2):
    rows_per_w = idx2.shape[0] // NW
    epw = rows_per_w * IDX_W
    ng = rows_per_w // GROUP
    upw = nodes2.shape[1]
    nb = NW * upw
    mesh = plsc.VectorSubcoreMesh(
        core_axis_name="c", subcore_axis_name="s",
        num_cores=NC, num_subcores=NS)

    @functools.partial(
        pl.kernel,
        out_type=(
            jax.ShapeDtypeStruct((epw * NW, D), jnp.float32),
            jax.ShapeDtypeStruct((nb, D), jnp.float32),
        ),
        mesh=mesh,
        compiler_params=pltpu.CompilerParams(use_tc_tiling_on_sc=False),
        scratch_types=(
            pltpu.VMEM((rows_per_w, IDX_W), jnp.int32),
            pltpu.VMEM((NBUF, GROWS, D), jnp.float32),
            pltpu.VMEM((upw,), jnp.int32),
            pltpu.VMEM((upw, D), jnp.float32),
            pltpu.SemaphoreType.DMA((NBUF,)),
            pltpu.SemaphoreType.DMA((NBUF,)),
            pltpu.SemaphoreType.DMA,
        ),
    )
    def k(item_hbm, idx_hbm, user_hbm, nodes_hbm, g_hbm, u_hbm,
          idx_v, bufs, uidx_v, urows_v, gsems, osems, usem):
        wid = lax.axis_index("s") * NC + lax.axis_index("c")
        pltpu.sync_copy(idx_hbm.at[pl.ds(wid * rows_per_w, rows_per_w)], idx_v)
        pltpu.sync_copy(nodes_hbm.at[wid], uidx_v)
        ucp = pltpu.async_copy(user_hbm.at[uidx_v], urows_v, usem)
        obase = wid * epw

        def fire_g(g, b):
            for j in range(GROUP):
                pltpu.async_copy(
                    item_hbm.at[idx_v.at[g * GROUP + j]],
                    bufs.at[b, pl.ds(j * IDX_W, IDX_W)], gsems.at[b])

        def drain_g(b):
            pltpu.make_async_copy(
                item_hbm.at[pl.ds(0, GROWS)], bufs.at[b], gsems.at[b]).wait()

        def fire_o(g, b):
            pltpu.async_copy(
                bufs.at[b], g_hbm.at[pl.ds(obase + g * GROWS, GROWS)],
                osems.at[b])

        def drain_o(b):
            pltpu.make_async_copy(
                bufs.at[b], g_hbm.at[pl.ds(obase, GROWS)], osems.at[b]).wait()

        fire_g(0, 0)
        fire_g(1, 1)
        drain_g(0)
        fire_o(0, 0)
        fire_g(2, 2)

        def body(g, carry):
            b = lax.rem(g, NBUF)
            bp = lax.rem(g + 2, NBUF)
            drain_g(b)
            fire_o(g, b)
            drain_o(bp)
            fire_g(g + 2, bp)
            return carry

        lax.fori_loop(1, ng - 2, body, 0)
        drain_g((ng - 2) % NBUF)
        fire_o(ng - 2, (ng - 2) % NBUF)
        drain_o((ng - 3) % NBUF)
        drain_g((ng - 1) % NBUF)
        fire_o(ng - 1, (ng - 1) % NBUF)
        drain_o((ng - 2) % NBUF)
        drain_o((ng - 1) % NBUF)
        ucp.wait()
        pltpu.sync_copy(urows_v, u_hbm.at[pl.ds(wid * upw, upw)])

    return k(item_emb, idx2, user_emb, nodes2)


DP = DEGP // 2
N2BLK = BB * DP


def _tc_body(gp_ref, ids_ref, u_ref, w1blk_ref, w2blk_ref, wa1blk_ref,
             wa2blk_ref, wa3blk_ref, wa1bh_ref, w1rh_ref, remb_ref,
             b1p_ref, b2p_ref, ba1p_ref, ba2p_ref, out_ref):
    f32 = jnp.float32
    D2 = 2 * D
    gp = gp_ref[...]
    ids = ids_ref[...]
    r1 = jnp.dot(remb_ref[...], w1rh_ref[...],
                 preferred_element_type=f32)
    r1p = jnp.concatenate([r1, r1], axis=1)

    lane = lax.broadcasted_iota(jnp.int32, (N2BLK, D2), 1)
    idsx = jnp.where(lane < D, ids[:, 0:1], ids[:, 1:2])
    b0 = lax.bitwise_and(idsx, 1) == 1
    b1 = lax.bitwise_and(idsx, 2) == 2
    b2 = idsx >= 4
    a01 = jnp.where(b0, r1p[1:2, :], r1p[0:1, :])
    a23 = jnp.where(b0, r1p[3:4, :], r1p[2:3, :])
    rc = jnp.where(b2, r1p[4:5, :], jnp.where(b1, a23, a01))

    t = jnp.maximum(jnp.dot(gp, w1blk_ref[...], preferred_element_type=f32)
                    + rc + b1p_ref[...], 0.0)
    uvr = jnp.maximum(jnp.dot(t, w2blk_ref[...], preferred_element_type=f32)
                      + b2p_ref[...], 0.0)

    selfc = jnp.dot(u_ref[...], wa1bh_ref[...],
                    preferred_element_type=f32)
    selfp = jnp.concatenate([selfc, selfc], axis=1)
    h1 = jnp.dot(uvr, wa1blk_ref[...], preferred_element_type=f32)
    h = jnp.maximum(h1.reshape(BB, DP, D2) + selfp[:, None, :]
                    + ba1p_ref[...][None, :, :], 0.0)
    h2 = jnp.maximum(
        jnp.dot(h.reshape(N2BLK, D2), wa2blk_ref[...],
                preferred_element_type=f32) + ba2p_ref[...], 0.0)
    lg = jnp.dot(h2, wa3blk_ref[...], preferred_element_type=f32)

    l3 = lg.reshape(BB, DP, 2)
    ki = lax.broadcasted_iota(jnp.int32, (BB, DP, 2), 1)
    hi = lax.broadcasted_iota(jnp.int32, (BB, DP, 2), 2)
    l3 = jnp.where(2 * ki + hi < DEG, l3, f32(-1e30))
    m = jnp.max(jnp.max(l3, axis=2, keepdims=True), axis=1, keepdims=True)
    e = jnp.exp(l3 - m)
    se = jnp.sum(e, axis=1)
    s = se[:, 0:1] + se[:, 1:2]
    lane3 = lax.broadcasted_iota(jnp.int32, (BB, DP, D2), 2)
    esel = jnp.where(lane3 < D, e[:, :, 0:1], e[:, :, 1:2])
    nump = jnp.sum(uvr.reshape(BB, DP, D2) * esel, axis=1)
    out_ref[...] = (nump[:, 0:D] + nump[:, D:D2]) / s


def _tc_mlp(gp, ids2, u, w1blk, w2blk, wa1blk, wa2blk, wa3blk, wa1bh, w1rh,
            remb, b1p, b2p, ba1p, ba2p):
    D2 = 2 * D
    nb = u.shape[0]
    full = lambda shape: pl.BlockSpec(shape, lambda i: (0, 0))
    return pl.pallas_call(
        _tc_body,
        grid=(nb // BB,),
        in_specs=[
            pl.BlockSpec((N2BLK, D2), lambda i: (i, 0)),
            pl.BlockSpec((N2BLK, 2), lambda i: (i, 0)),
            pl.BlockSpec((BB, D), lambda i: (i, 0)),
            full((D2, D2)), full((D2, D2)), full((D2, D2)), full((D2, D2)),
            full((D2, 2)), full((D, D)), full((D, D)), full((8, D)),
            full((1, D2)), full((1, D2)), full((1, D2)), full((1, D2)),
        ],
        out_specs=pl.BlockSpec((BB, D), lambda i: (i, 0)),
        out_shape=jax.ShapeDtypeStruct((nb, D), jnp.float32),
        compiler_params=pltpu.CompilerParams(
            vmem_limit_bytes=100 * 1024 * 1024),
    )(gp, ids2, u, w1blk, w2blk, wa1blk, wa2blk, wa3blk, wa1bh, w1rh,
      remb, b1p, b2p, ba1p, ba2p)


def _blkdiag(w):
    z = jnp.zeros_like(w)
    return jnp.concatenate(
        [jnp.concatenate([w, z], axis=1), jnp.concatenate([z, w], axis=1)],
        axis=0)


def kernel(nodes, uv_adjacency, ratings, user_emb, item_emb, rating_emb,
           w1_w, w1_b, w2_w, w2_b, wa1_w, wa1_b, wa2_w, wa2_b, wa3_w, wa3_b):
    npad = DEGP - DEG
    pad_idx = (lax.broadcasted_iota(jnp.int32, (B, npad), 0) * npad
               + lax.broadcasted_iota(jnp.int32, (B, npad), 1))
    adj_p = jnp.concatenate([uv_adjacency.astype(jnp.int32), pad_idx], axis=1)
    rat_p = jnp.pad(ratings.astype(jnp.int32), ((0, 0), (0, npad)))
    nodes_i = nodes.astype(jnp.int32)

    remb = jnp.pad(rating_emb, ((0, 3), (0, 0)))
    pair = lambda v: jnp.concatenate([v, v], axis=0).reshape(1, 2 * D)
    weights = (
        _blkdiag(w1_w[:D]), _blkdiag(w2_w), _blkdiag(wa1_w[:D]),
        _blkdiag(wa2_w),
        _blkdiag(wa3_w),
        wa1_w[D:], w1_w[D:], remb,
        pair(w1_b), pair(w2_b), pair(wa1_b), pair(wa2_b))

    idx2 = adj_p.reshape(B * DEGP // IDX_W, IDX_W)
    nodes2 = nodes_i.reshape(NW, B // NW)
    g, u = _sc_gather(item_emb, idx2, user_emb, nodes2)
    gp = g.reshape(B * DEGP // 2, 2 * D)
    ids2 = rat_p.reshape(B * DEGP // 2, 2)
    return _tc_mlp(gp, ids2, u, *weights)

# --- scband reference (transcript-rebuilt; emitter-appended) ---
"""Pipeline reference for scband-user-item-aggregator-73461120631292 (READ-ONLY COPY).

The authoritative reference and input builder live on the scoring server;
editing this copy changes nothing except your own understanding.
"""

import jax, jax.numpy as jnp
import numpy as np

B = 4096
DEG = 50
D = 64
NUSERS = 100000
NITEMS = 100000
NRATINGS = 5


def setup_inputs(seed: int = 0) -> dict:
    key = jax.random.key(seed)
    ks = jax.random.split(key, 16)
    nodes = jax.random.randint(ks[0], (B,), 0, NUSERS, dtype=jnp.int64 if jax.config.jax_enable_x64 else jnp.int32)
    uv_adjacency = jax.random.randint(ks[1], (B, DEG), 0, NITEMS, dtype=jnp.int64 if jax.config.jax_enable_x64 else jnp.int32)
    ratings = jax.random.randint(ks[2], (B, DEG), 0, NRATINGS, dtype=jnp.int64 if jax.config.jax_enable_x64 else jnp.int32)
    user_emb = jax.random.normal(ks[3], (NUSERS, D), dtype=jnp.float32)
    item_emb = jax.random.normal(ks[4], (NITEMS, D), dtype=jnp.float32)
    rating_emb = jax.random.normal(ks[5], (NRATINGS, D), dtype=jnp.float32)
    # Linear layers stored as [in, out] so y = x @ W + b (equivalent to torch x @ W_t.T + b)
    w1_w = jax.random.normal(ks[6], (2 * D, D), dtype=jnp.float32) * 0.05
    w1_b = jnp.zeros((D,), dtype=jnp.float32)
    w2_w = jax.random.normal(ks[7], (D, D), dtype=jnp.float32) * 0.05
    w2_b = jnp.zeros((D,), dtype=jnp.float32)
    wa1_w = jax.random.normal(ks[8], (2 * D, D), dtype=jnp.float32) * 0.05
    wa1_b = jnp.zeros((D,), dtype=jnp.float32)
    wa2_w = jax.random.normal(ks[9], (D, D), dtype=jnp.float32) * 0.05
    wa2_b = jnp.zeros((D,), dtype=jnp.float32)
    wa3_w = jax.random.normal(ks[10], (D, 1), dtype=jnp.float32) * 0.05
    wa3_b = jnp.zeros((1,), dtype=jnp.float32)
    return {
        "nodes": nodes,
        "uv_adjacency": uv_adjacency,
        "ratings": ratings,
        "user_emb": user_emb,
        "item_emb": item_emb,
        "rating_emb": rating_emb,
        "w1_w": w1_w, "w1_b": w1_b,
        "w2_w": w2_w, "w2_b": w2_b,
        "wa1_w": wa1_w, "wa1_b": wa1_b,
        "wa2_w": wa2_w, "wa2_b": wa2_b,
        "wa3_w": wa3_w, "wa3_b": wa3_b,
    }


def reference(nodes, uv_adjacency, ratings, user_emb, item_emb, rating_emb,
              w1_w, w1_b, w2_w, w2_b, wa1_w, wa1_b, wa2_w, wa2_b, wa3_w, wa3_b):
    # user_latent_flag=True branch, eval mode (dropout is identity), vectorized over the python loop
    uv_e = jnp.take(item_emb, uv_adjacency, axis=0)          # [B, DEG, D] neighbor item embeddings
    r_e = jnp.take(rating_emb, ratings, axis=0)              # [B, DEG, D] rating embeddings
    self_r = jnp.take(user_emb, nodes, axis=0)               # [B, D] center user embedding
    uv_r = jax.nn.relu(jnp.concatenate([uv_e, r_e], axis=-1) @ w1_w + w1_b)
    uv_r = jax.nn.relu(uv_r @ w2_w + w2_b)                   # [B, DEG, D]
    reprs = jnp.broadcast_to(self_r[:, None, :], (self_r.shape[0], uv_e.shape[1], self_r.shape[1]))
    h = jax.nn.relu(jnp.concatenate([uv_r, reprs], axis=-1) @ wa1_w + wa1_b)
    h = jax.nn.relu(h @ wa2_w + wa2_b)
    logits = h @ wa3_w + wa3_b                               # [B, DEG, 1]
    att = jax.nn.softmax(logits, axis=1)                     # softmax over neighbors (dim=0 within each loop iter)
    aggregated = jnp.sum(uv_r * att, axis=1)                 # [B, D] == (uv_r.T @ att).T per row
    return aggregated

if __name__ == "__main__":
    import jax
    _d = setup_inputs()
    print(jax.jit(kernel)(*tuple(_d.values())))

</pallas_src>

<mosaic_0001>
#map = affine_map<(d0, d1) -> (0, 0)>
module attributes {stable_mosaic.version = 14 : i64} {
  func.func @k(%arg0: i32, %arg1: i32, %arg2: memref<100000x64xf32, #tpu.memory_space<hbm>>, %arg3: memref<1792x128xi32, #tpu.memory_space<hbm>>, %arg4: memref<100000x64xf32, #tpu.memory_space<hbm>>, %arg5: memref<32x128xi32, #tpu.memory_space<hbm>>, %arg6: memref<229376x64xf32, #tpu.memory_space<hbm>>, %arg7: memref<4096x64xf32, #tpu.memory_space<hbm>>, %arg8: memref<56x128xi32, #tpu.memory_space<vmem>>, %arg9: memref<3x512x64xf32, #tpu.memory_space<vmem>>, %arg10: memref<128xi32, #tpu.memory_space<vmem>>, %arg11: memref<128x64xf32, #tpu.memory_space<vmem>>, %arg12: memref<3x!tpu.dma_semaphore, #tpu.memory_space<semaphore_mem>>, %arg13: memref<3x!tpu.dma_semaphore, #tpu.memory_space<semaphore_mem>>, %arg14: memref<!tpu.dma_semaphore, #tpu.memory_space<semaphore_mem>>) attributes {dimension_semantics = [#tpu.dimension_semantics<core_parallel>, #tpu.dimension_semantics<subcore_parallel>], iteration_bounds = array<i64: 2, 16>, scalar_prefetch = 0 : i64, scratch_operands = 7 : i64, tpu.core_type = #tpu.core_type<sc_vector_subcore>, window_params = [{transform_indices = #map}, {transform_indices = #map}, {transform_indices = #map}, {transform_indices = #map}, {transform_indices = #map}, {transform_indices = #map}]} {
    %mul3A = arith.constant 2 : i32
    %mul3A_0 = arith.muli %arg1, %mul3A : i32
    %add3A = arith.addi %mul3A_0, %arg0 : i32
    %mul3A_1 = arith.constant 56 : i32
    %mul3A_2 = arith.muli %add3A, %mul3A_1 : i32
    "tpu.region"() ({
      %run_scoped3A = tpu.sem_alloc : memref<!tpu.dma_semaphore, #tpu.memory_space<semaphore_mem>>
      %dma_start3A_352 = arith.constant 0 : i32
      %dma_start3A_353 = tpu.memref_slice %arg3[%mul3A_2, %dma_start3A_352] : memref<1792x128xi32, #tpu.memory_space<hbm>> -> memref<56x128xi32, #tpu.memory_space<hbm>>
      %dma_start3A_354 = arith.constant 0 : i32
      %dma_start3A_355 = tpu.memref_slice %arg3[%mul3A_2, %dma_start3A_354] : memref<1792x128xi32, #tpu.memory_space<hbm>> -> memref<56x128xi32, #tpu.memory_space<hbm>>
      tpu.enqueue_dma source(%dma_start3A_355 : memref<56x128xi32, #tpu.memory_space<hbm>>) target(%arg8 : memref<56x128xi32, #tpu.memory_space<vmem>>) target_semaphore(%run_scoped3A : memref<!tpu.dma_semaphore, #tpu.memory_space<semaphore_mem>>)
      %dma_wait3A_356 = arith.constant 0 : i32
      %dma_wait3A_357 = tpu.memref_slice %arg3[%mul3A_2, %dma_wait3A_356] : memref<1792x128xi32, #tpu.memory_space<hbm>> -> memref<56x128xi32, #tpu.memory_space<hbm>>
      %dma_wait3A_358 = arith.constant 0 : i32
      %dma_wait3A_359 = tpu.memref_slice %arg3[%mul3A_2, %dma_wait3A_358] : memref<1792x128xi32, #tpu.memory_space<hbm>> -> memref<56x128xi32, #tpu.memory_space<hbm>>
      tpu.wait_dma2 semaphore(%run_scoped3A : memref<!tpu.dma_semaphore, #tpu.memory_space<semaphore_mem>>) src(%dma_wait3A_359 : memref<56x128xi32, #tpu.memory_space<hbm>>) dst(%arg8 : memref<56x128xi32, #tpu.memory_space<vmem>>)
      tpu.yield
    }) : () -> ()
    "tpu.region"() ({
      %run_scoped3A = tpu.sem_alloc : memref<!tpu.dma_semaphore, #tpu.memory_space<semaphore_mem>>
      %dma_start3A_352 = arith.constant 0 : i32
      %dma_start3A_353 = tpu.memref_slice %arg5[%add3A, %dma_start3A_352] : memref<32x128xi32, #tpu.memory_space<hbm>> -> memref<1x128xi32, #tpu.memory_space<hbm>>
      %dma_start3A_354 = tpu.memref_squeeze %dma_start3A_353 : memref<1x128xi32, #tpu.memory_space<hbm>> -> memref<128xi32, #tpu.memory_space<hbm>>
      %dma_start3A_355 = arith.constant 0 : i32
      %dma_start3A_356 = tpu.memref_slice %arg5[%add3A, %dma_start3A_355] : memref<32x128xi32, #tpu.memory_space<hbm>> -> memref<1x128xi32, #tpu.memory_space<hbm>>
      %dma_start3A_357 = tpu.memref_squeeze %dma_start3A_356 : memref<1x128xi32, #tpu.memory_space<hbm>> -> memref<128xi32, #tpu.memory_space<hbm>>
      tpu.enqueue_dma source(%dma_start3A_357 : memref<128xi32, #tpu.memory_space<hbm>>) target(%arg10 : memref<128xi32, #tpu.memory_space<vmem>>) target_semaphore(%run_scoped3A : memref<!tpu.dma_semaphore, #tpu.memory_space<semaphore_mem>>)
      %dma_wait3A_358 = arith.constant 0 : i32
      %dma_wait3A_359 = tpu.memref_slice %arg5[%add3A, %dma_wait3A_358] : memref<32x128xi32, #tpu.memory_space<hbm>> -> memref<1x128xi32, #tpu.memory_space<hbm>>
      %dma_wait3A_360 = tpu.memref_squeeze %dma_wait3A_359 : memref<1x128xi32, #tpu.memory_space<hbm>> -> memref<128xi32, #tpu.memory_space<hbm>>
      %dma_wait3A_361 = arith.constant 0 : i32
      %dma_wait3A_362 = tpu.memref_slice %arg5[%add3A, %dma_wait3A_361] : memref<32x128xi32, #tpu.memory_space<hbm>> -> memref<1x128xi32, #tpu.memory_space<hbm>>
      %dma_wait3A_363 = tpu.memref_squeeze %dma_wait3A_362 : memref<1x128xi32, #tpu.memory_space<hbm>> -> memref<128xi32, #tpu.memory_space<hbm>>
      tpu.wait_dma2 semaphore(%run_scoped3A : memref<!tpu.dma_semaphore, #tpu.memory_space<semaphore_mem>>) src(%dma_wait3A_363 : memref<128xi32, #tpu.memory_space<hbm>>) dst(%arg10 : memref<128xi32, #tpu.memory_space<vmem>>)
      tpu.yield
    }) : () -> ()
    %dma_start3A = arith.constant 0 : i32
    %dma_start3A_3 = arith.constant 0 : i32
    %dma_start3A_4 = tpu.memref_slice %arg4[%dma_start3A, %dma_start3A_3] : memref<100000x64xf32, #tpu.memory_space<hbm>> -> memref<100000x64xf32, #tpu.memory_space<hbm>>
    tpu.enqueue_indirect_dma source(%dma_start3A_4 : memref<100000x64xf32, #tpu.memory_space<hbm>>) target(%arg11 : memref<128x64xf32, #tpu.memory_space<vmem>>) offsets(%arg10 : memref<128xi32, #tpu.memory_space<vmem>>) semaphore(%arg14 : memref<!tpu.dma_semaphore, #tpu.memory_space<semaphore_mem>>)
    %mul3A_5 = arith.constant 7168 : i32
    %mul3A_6 = arith.muli %add3A, %mul3A_5 : i32
    %dma_start3A_7 = arith.constant 0 : i32
    %dma_start3A_8 = arith.constant 0 : i32
    %dma_start3A_9 = arith.constant 0 : i32
    %dma_start3A_10 = arith.constant 0 : i32
    %dma_start3A_11 = arith.constant 0 : i32
    %dma_start3A_12 = tpu.memref_slice %arg9[%dma_start3A_8, %dma_start3A_10, %dma_start3A_11] : memref<3x512x64xf32, #tpu.memory_space<vmem>> -> memref<1x128x64xf32, #tpu.memory_space<vmem>>
    %dma_start3A_13 = tpu.memref_squeeze %dma_start3A_12 : memref<1x128x64xf32, #tpu.memory_space<vmem>> -> memref<128x64xf32, #tpu.memory_space<vmem>>
    %dma_start3A_14 = arith.constant 0 : i32
    %dma_start3A_15 = tpu.memref_slice %arg8[%dma_start3A_7, %dma_start3A_14] : memref<56x128xi32, #tpu.memory_space<vmem>> -> memref<1x128xi32, #tpu.memory_space<vmem>>
    %dma_start3A_16 = tpu.memref_squeeze %dma_start3A_15 : memref<1x128xi32, #tpu.memory_space<vmem>> -> memref<128xi32, #tpu.memory_space<vmem>>
    %dma_start3A_17 = arith.constant 0 : i32
    %dma_start3A_18 = arith.constant 0 : i32
    %dma_start3A_19 = tpu.memref_slice %arg2[%dma_start3A_17, %dma_start3A_18] : memref<100000x64xf32, #tpu.memory_space<hbm>> -> memref<100000x64xf32, #tpu.memory_space<hbm>>
    %dma_start3A_20 = tpu.memref_slice %arg12[%dma_start3A_9] : memref<3x!tpu.dma_semaphore, #tpu.memory_space<semaphore_mem>> -> memref<1x!tpu.dma_semaphore, #tpu.memory_space<semaphore_mem>>
    %dma_start3A_21 = tpu.memref_squeeze %dma_start3A_20 : memref<1x!tpu.dma_semaphore, #tpu.memory_space<semaphore_mem>> -> memref<!tpu.dma_semaphore, #tpu.memory_space<semaphore_mem>>
    tpu.enqueue_indirect_dma source(%dma_start3A_19 : memref<100000x64xf32, #tpu.memory_space<hbm>>) target(%dma_start3A_13 : memref<128x64xf32, #tpu.memory_space<vmem>>) offsets(%dma_start3A_16 : memref<128xi32, #tpu.memory_space<vmem>>) semaphore(%dma_start3A_21 : memref<!tpu.dma_semaphore, #tpu.memory_space<semaphore_mem>>)
    %dma_start3A_22 = arith.constant 1 : i32
    %dma_start3A_23 = arith.constant 0 : i32
    %dma_start3A_24 = arith.constant 0 : i32
    %dma_start3A_25 = arith.constant 128 : i32
    %dma_start3A_26 = arith.constant 0 : i32
    %dma_start3A_27 = tpu.memref_slice %arg9[%dma_start3A_23, %dma_start3A_25, %dma_start3A_26] : memref<3x512x64xf32, #tpu.memory_space<vmem>> -> memref<1x128x64xf32, #tpu.memory_space<vmem>>
    %dma_start3A_28 = tpu.memref_squeeze %dma_start3A_27 : memref<1x128x64xf32, #tpu.memory_space<vmem>> -> memref<128x64xf32, #tpu.memory_space<vmem>>
    %dma_start3A_29 = arith.constant 0 : i32
    %dma_start3A_30 = tpu.memref_slice %arg8[%dma_start3A_22, %dma_start3A_29] : memref<56x128xi32, #tpu.memory_space<vmem>> -> memref<1x128xi32, #tpu.memory_space<vmem>>
    %dma_start3A_31 = tpu.memref_squeeze %dma_start3A_30 : memref<1x128xi32, #tpu.memory_space<vmem>> -> memref<128xi32, #tpu.memory_space<vmem>>
    %dma_start3A_32 = arith.constant 0 : i32
    %dma_start3A_33 = arith.constant 0 : i32
    %dma_start3A_34 = tpu.memref_slice %arg2[%dma_start3A_32, %dma_start3A_33] : memref<100000x64xf32, #tpu.memory_space<hbm>> -> memref<100000x64xf32, #tpu.memory_space<hbm>>
    %dma_start3A_35 = tpu.memref_slice %arg12[%dma_start3A_24] : memref<3x!tpu.dma_semaphore, #tpu.memory_space<semaphore_mem>> -> memref<1x!tpu.dma_semaphore, #tpu.memory_space<semaphore_mem>>
    %dma_start3A_36 = tpu.memref_squeeze %dma_start3A_35 : memref<1x!tpu.dma_semaphore, #tpu.memory_space<semaphore_mem>> -> memref<!tpu.dma_semaphore, #tpu.memory_space<semaphore_mem>>
    tpu.enqueue_indirect_dma source(%dma_start3A_34 : memref<100000x64xf32, #tpu.memory_space<hbm>>) target(%dma_start3A_28 : memref<128x64xf32, #tpu.memory_space<vmem>>) offsets(%dma_start3A_31 : memref<128xi32, #tpu.memory_space<vmem>>) semaphore(%dma_start3A_36 : memref<!tpu.dma_semaphore, #tpu.memory_space<semaphore_mem>>)
    %dma_start3A_37 = arith.constant 2 : i32
    %dma_start3A_38 = arith.constant 0 : i32
    %dma_start3A_39 = arith.constant 0 : i32
    %dma_start3A_40 = arith.constant 256 : i32
    %dma_start3A_41 = arith.constant 0 : i32
    %dma_start3A_42 = tpu.memref_slice %arg9[%dma_start3A_38, %dma_start3A_40, %dma_start3A_41] : memref<3x512x64xf32, #tpu.memory_space<vmem>> -> memref<1x128x64xf32, #tpu.memory_space<vmem>>
    %dma_start3A_43 = tpu.memref_squeeze %dma_start3A_42 : memref<1x128x64xf32, #tpu.memory_space<vmem>> -> memref<128x64xf32, #tpu.memory_space<vmem>>
    %dma_start3A_44 = arith.constant 0 : i32
    %dma_start3A_45 = tpu.memref_slice %arg8[%dma_start3A_37, %dma_start3A_44] : memref<56x128xi32, #tpu.memory_space<vmem>> -> memref<1x128xi32, #tpu.memory_space<vmem>>
    %dma_start3A_46 = tpu.memref_squeeze %dma_start3A_45 : memref<1x128xi32, #tpu.memory_space<vmem>> -> memref<128xi32, #tpu.memory_space<vmem>>
    %dma_start3A_47 = arith.constant 0 : i32
    %dma_start3A_48 = arith.constant 0 : i32
    %dma_start3A_49 = tpu.memref_slice %arg2[%dma_start3A_47, %dma_start3A_48] : memref<100000x64xf32, #tpu.memory_space<hbm>> -> memref<100000x64xf32, #tpu.memory_space<hbm>>
    %dma_start3A_50 = tpu.memref_slice %arg12[%dma_start3A_39] : memref<3x!tpu.dma_semaphore, #tpu.memory_space<semaphore_mem>> -> memref<1x!tpu.dma_semaphore, #tpu.memory_space<semaphore_mem>>
    %dma_start3A_51 = tpu.memref_squeeze %dma_start3A_50 : memref<1x!tpu.dma_semaphore, #tpu.memory_space<semaphore_mem>> -> memref<!tpu.dma_semaphore, #tpu.memory_space<semaphore_mem>>
    tpu.enqueue_indirect_dma source(%dma_start3A_49 : memref<100000x64xf32, #tpu.memory_space<hbm>>) target(%dma_start3A_43 : memref<128x64xf32, #tpu.memory_space<vmem>>) offsets(%dma_start3A_46 : memref<128xi32, #tpu.memory_space<vmem>>) semaphore(%dma_start3A_51 : memref<!tpu.dma_semaphore, #tpu.memory_space<semaphore_mem>>)
    %dma_start3A_52 = arith.constant 3 : i32
    %dma_start3A_53 = arith.constant 0 : i32
    %dma_start3A_54 = arith.constant 0 : i32
    %dma_start3A_55 = arith.constant 384 : i32
    %dma_start3A_56 = arith.constant 0 : i32
    %dma_start3A_57 = tpu.memref_slice %arg9[%dma_start3A_53, %dma_start3A_55, %dma_start3A_56] : memref<3x512x64xf32, #tpu.memory_space<vmem>> -> memref<1x128x64xf32, #tpu.memory_space<vmem>>
    %dma_start3A_58 = tpu.memref_squeeze %dma_start3A_57 : memref<1x128x64xf32, #tpu.memory_space<vmem>> -> memref<128x64xf32, #tpu.memory_space<vmem>>
    %dma_start3A_59 = arith.constant 0 : i32
    %dma_start3A_60 = tpu.memref_slice %arg8[%dma_start3A_52, %dma_start3A_59] : memref<56x128xi32, #tpu.memory_space<vmem>> -> memref<1x128xi32, #tpu.memory_space<vmem>>
    %dma_start3A_61 = tpu.memref_squeeze %dma_start3A_60 : memref<1x128xi32, #tpu.memory_space<vmem>> -> memref<128xi32, #tpu.memory_space<vmem>>
    %dma_start3A_62 = arith.constant 0 : i32
    %dma_start3A_63 = arith.constant 0 : i32
    %dma_start3A_64 = tpu.memref_slice %arg2[%dma_start3A_62, %dma_start3A_63] : memref<100000x64xf32, #tpu.memory_space<hbm>> -> memref<100000x64xf32, #tpu.memory_space<hbm>>
    %dma_start3A_65 = tpu.memref_slice %arg12[%dma_start3A_54] : memref<3x!tpu.dma_semaphore, #tpu.memory_space<semaphore_mem>> -> memref<1x!tpu.dma_semaphore, #tpu.memory_space<semaphore_mem>>
    %dma_start3A_66 = tpu.memref_squeeze %dma_start3A_65 : memref<1x!tpu.dma_semaphore, #tpu.memory_space<semaphore_mem>> -> memref<!tpu.dma_semaphore, #tpu.memory_space<semaphore_mem>>
    tpu.enqueue_indirect_dma source(%dma_start3A_64 : memref<100000x64xf32, #tpu.memory_space<hbm>>) target(%dma_start3A_58 : memref<128x64xf32, #tpu.memory_space<vmem>>) offsets(%dma_start3A_61 : memref<128xi32, #tpu.memory_space<vmem>>) semaphore(%dma_start3A_66 : memref<!tpu.dma_semaphore, #tpu.memory_space<semaphore_mem>>)
    %dma_start3A_67 = arith.constant 4 : i32
    %dma_start3A_68 = arith.constant 1 : i32
    %dma_start3A_69 = arith.constant 1 : i32
    %dma_start3A_70 = arith.constant 0 : i32
    %dma_start3A_71 = arith.constant 0 : i32
    %dma_start3A_72 = tpu.memref_slice %arg9[%dma_start3A_68, %dma_start3A_70, %dma_start3A_71] : memref<3x512x64xf32, #tpu.memory_space<vmem>> -> memref<1x128x64xf32, #tpu.memory_space<vmem>>
    %dma_start3A_73 = tpu.memref_squeeze %dma_start3A_72 : memref<1x128x64xf32, #tpu.memory_space<vmem>> -> memref<128x64xf32, #tpu.memory_space<vmem>>
    %dma_start3A_74 = arith.constant 0 : i32
    %dma_start3A_75 = tpu.memref_slice %arg8[%dma_start3A_67, %dma_start3A_74] : memref<56x128xi32, #tpu.memory_space<vmem>> -> memref<1x128xi32, #tpu.memory_space<vmem>>
    %dma_start3A_76 = tpu.memref_squeeze %dma_start3A_75 : memref<1x128xi32, #tpu.memory_space<vmem>> -> memref<128xi32, #tpu.memory_space<vmem>>
    %dma_start3A_77 = arith.constant 0 : i32
    %dma_start3A_78 = arith.constant 0 : i32
    %dma_start3A_79 = tpu.memref_slice %arg2[%dma_start3A_77, %dma_start3A_78] : memref<100000x64xf32, #tpu.memory_space<hbm>> -> memref<100000x64xf32, #tpu.memory_space<hbm>>
    %dma_start3A_80 = tpu.memref_slice %arg12[%dma_start3A_69] : memref<3x!tpu.dma_semaphore, #tpu.memory_space<semaphore_mem>> -> memref<1x!tpu.dma_semaphore, #tpu.memory_space<semaphore_mem>>
    %dma_start3A_81 = tpu.memref_squeeze %dma_start3A_80 : memref<1x!tpu.dma_semaphore, #tpu.memory_space<semaphore_mem>> -> memref<!tpu.dma_semaphore, #tpu.memory_space<semaphore_mem>>
    tpu.enqueue_indirect_dma source(%dma_start3A_79 : memref<100000x64xf32, #tpu.memory_space<hbm>>) target(%dma_start3A_73 : memref<128x64xf32, #tpu.memory_space<vmem>>) offsets(%dma_start3A_76 : memref<128xi32, #tpu.memory_space<vmem>>) semaphore(%dma_start3A_81 : memref<!tpu.dma_semaphore, #tpu.memory_space<semaphore_mem>>)
    %dma_start3A_82 = arith.constant 5 : i32
    %dma_start3A_83 = arith.constant 1 : i32
    %dma_start3A_84 = arith.constant 1 : i32
    %dma_start3A_85 = arith.constant 128 : i32
    %dma_start3A_86 = arith.constant 0 : i32
    %dma_start3A_87 = tpu.memref_slice %arg9[%dma_start3A_83, %dma_start3A_85, %dma_start3A_86] : memref<3x512x64xf32, #tpu.memory_space<vmem>> -> memref<1x128x64xf32, #tpu.memory_space<vmem>>
    %dma_start3A_88 = tpu.memref_squeeze %dma_start3A_87 : memref<1x128x64xf32, #tpu.memory_space<vmem>> -> memref<128x64xf32, #tpu.memory_space<vmem>>
    %dma_start3A_89 = arith.constant 0 : i32
    %dma_start3A_90 = tpu.memref_slice %arg8[%dma_start3A_82, %dma_start3A_89] : memref<56x128xi32, #tpu.memory_space<vmem>> -> memref<1x128xi32, #tpu.memory_space<vmem>>
    %dma_start3A_91 = tpu.memref_squeeze %dma_start3A_90 : memref<1x128xi32, #tpu.memory_space<vmem>> -> memref<128xi32, #tpu.memory_space<vmem>>
    %dma_start3A_92 = arith.constant 0 : i32
    %dma_start3A_93 = arith.constant 0 : i32
    %dma_start3A_94 = tpu.memref_slice %arg2[%dma_start3A_92, %dma_start3A_93] : memref<100000x64xf32, #tpu.memory_space<hbm>> -> memref<100000x64xf32, #tpu.memory_space<hbm>>
    %dma_start3A_95 = tpu.memref_slice %arg12[%dma_start3A_84] : memref<3x!tpu.dma_semaphore, #tpu.memory_space<semaphore_mem>> -> memref<1x!tpu.dma_semaphore, #tpu.memory_space<semaphore_mem>>
    %dma_start3A_96 = tpu.memref_squeeze %dma_start3A_95 : memref<1x!tpu.dma_semaphore, #tpu.memory_space<semaphore_mem>> -> memref<!tpu.dma_semaphore, #tpu.memory_space<semaphore_mem>>
    tpu.enqueue_indirect_dma source(%dma_start3A_94 : memref<100000x64xf32, #tpu.memory_space<hbm>>) target(%dma_start3A_88 : memref<128x64xf32, #tpu.memory_space<vmem>>) offsets(%dma_start3A_91 : memref<128xi32, #tpu.memory_space<vmem>>) semaphore(%dma_start3A_96 : memref<!tpu.dma_semaphore, #tpu.memory_space<semaphore_mem>>)
    %dma_start3A_97 = arith.constant 6 : i32
    %dma_start3A_98 = arith.constant 1 : i32
    %dma_start3A_99 = arith.constant 1 : i32
    %dma_start3A_100 = arith.constant 256 : i32
    %dma_start3A_101 = arith.constant 0 : i32
    %dma_start3A_102 = tpu.memref_slice %arg9[%dma_start3A_98, %dma_start3A_100, %dma_start3A_101] : memref<3x512x64xf32, #tpu.memory_space<vmem>> -> memref<1x128x64xf32, #tpu.memory_space<vmem>>
    %dma_start3A_103 = tpu.memref_squeeze %dma_start3A_102 : memref<1x128x64xf32, #tpu.memory_space<vmem>> -> memref<128x64xf32, #tpu.memory_space<vmem>>
    %dma_start3A_104 = arith.constant 0 : i32
    %dma_start3A_105 = tpu.memref_slice %arg8[%dma_start3A_97, %dma_start3A_104] : memref<56x128xi32, #tpu.memory_space<vmem>> -> memref<1x128xi32, #tpu.memory_space<vmem>>
    %dma_start3A_106 = tpu.memref_squeeze %dma_start3A_105 : memref<1x128xi32, #tpu.memory_space<vmem>> -> memref<128xi32, #tpu.memory_space<vmem>>
    %dma_start3A_107 = arith.constant 0 : i32
    %dma_start3A_108 = arith.constant 0 : i32
    %dma_start3A_109 = tpu.memref_slice %arg2[%dma_start3A_107, %dma_start3A_108] : memref<100000x64xf32, #tpu.memory_space<hbm>> -> memref<100000x64xf32, #tpu.memory_space<hbm>>
    %dma_start3A_110 = tpu.memref_slice %arg12[%dma_start3A_99] : memref<3x!tpu.dma_semaphore, #tpu.memory_space<semaphore_mem>> -> memref<1x!tpu.dma_semaphore, #tpu.memory_space<semaphore_mem>>
    %dma_start3A_111 = tpu.memref_squeeze %dma_start3A_110 : memref<1x!tpu.dma_semaphore, #tpu.memory_space<semaphore_mem>> -> memref<!tpu.dma_semaphore, #tpu.memory_space<semaphore_mem>>
    tpu.enqueue_indirect_dma source(%dma_start3A_109 : memref<100000x64xf32, #tpu.memory_space<hbm>>) target(%dma_start3A_103 : memref<128x64xf32, #tpu.memory_space<vmem>>) offsets(%dma_start3A_106 : memref<128xi32, #tpu.memory_space<vmem>>) semaphore(%dma_start3A_111 : memref<!tpu.dma_semaphore, #tpu.memory_space<semaphore_mem>>)
    %dma_start3A_112 = arith.constant 7 : i32
    %dma_start3A_113 = arith.constant 1 : i32
    %dma_start3A_114 = arith.constant 1 : i32
    %dma_start3A_115 = arith.constant 384 : i32
    %dma_start3A_116 = arith.constant 0 : i32
    %dma_start3A_117 = tpu.memref_slice %arg9[%dma_start3A_113, %dma_start3A_115, %dma_start3A_116] : memref<3x512x64xf32, #tpu.memory_space<vmem>> -> memref<1x128x64xf32, #tpu.memory_space<vmem>>
    %dma_start3A_118 = tpu.memref_squeeze %dma_start3A_117 : memref<1x128x64xf32, #tpu.memory_space<vmem>> -> memref<128x64xf32, #tpu.memory_space<vmem>>
    %dma_start3A_119 = arith.constant 0 : i32
    %dma_start3A_120 = tpu.memref_slice %arg8[%dma_start3A_112, %dma_start3A_119] : memref<56x128xi32, #tpu.memory_space<vmem>> -> memref<1x128xi32, #tpu.memory_space<vmem>>
    %dma_start3A_121 = tpu.memref_squeeze %dma_start3A_120 : memref<1x128xi32, #tpu.memory_space<vmem>> -> memref<128xi32, #tpu.memory_space<vmem>>
    %dma_start3A_122 = arith.constant 0 : i32
    %dma_start3A_123 = arith.constant 0 : i32
    %dma_start3A_124 = tpu.memref_slice %arg2[%dma_start3A_122, %dma_start3A_123] : memref<100000x64xf32, #tpu.memory_space<hbm>> -> memref<100000x64xf32, #tpu.memory_space<hbm>>
    %dma_start3A_125 = tpu.memref_slice %arg12[%dma_start3A_114] : memref<3x!tpu.dma_semaphore, #tpu.memory_space<semaphore_mem>> -> memref<1x!tpu.dma_semaphore, #tpu.memory_space<semaphore_mem>>
    %dma_start3A_126 = tpu.memref_squeeze %dma_start3A_125 : memref<1x!tpu.dma_semaphore, #tpu.memory_space<semaphore_mem>> -> memref<!tpu.dma_semaphore, #tpu.memory_space<semaphore_mem>>
    tpu.enqueue_indirect_dma source(%dma_start3A_124 : memref<100000x64xf32, #tpu.memory_space<hbm>>) target(%dma_start3A_118 : memref<128x64xf32, #tpu.memory_space<vmem>>) offsets(%dma_start3A_121 : memref<128xi32, #tpu.memory_space<vmem>>) semaphore(%dma_start3A_126 : memref<!tpu.dma_semaphore, #tpu.memory_space<semaphore_mem>>)
    %dma_wait3A = arith.constant 0 : i32
    %dma_wait3A_127 = arith.constant 0 : i32
    %dma_wait3A_128 = arith.constant 0 : i32
    %dma_wait3A_129 = arith.constant 0 : i32
    %dma_wait3A_130 = tpu.memref_slice %arg9[%dma_wait3A, %dma_wait3A_128, %dma_wait3A_129] : memref<3x512x64xf32, #tpu.memory_space<vmem>> -> memref<1x512x64xf32, #tpu.memory_space<vmem>>
    %dma_wait3A_131 = tpu.memref_squeeze %dma_wait3A_130 : memref<1x512x64xf32, #tpu.memory_space<vmem>> -> memref<512x64xf32, #tpu.memory_space<vmem>>
    %dma_wait3A_132 = arith.constant 0 : i32
    %dma_wait3A_133 = arith.constant 0 : i32
    %dma_wait3A_134 = tpu.memref_slice %arg2[%dma_wait3A_132, %dma_wait3A_133] : memref<100000x64xf32, #tpu.memory_space<hbm>> -> memref<512x64xf32, #tpu.memory_space<hbm>>
    %dma_wait3A_135 = tpu.memref_slice %arg12[%dma_wait3A_127] : memref<3x!tpu.dma_semaphore, #tpu.memory_space<semaphore_mem>> -> memref<1x!tpu.dma_semaphore, #tpu.memory_space<semaphore_mem>>
    %dma_wait3A_136 = tpu.memref_squeeze %dma_wait3A_135 : memref<1x!tpu.dma_semaphore, #tpu.memory_space<semaphore_mem>> -> memref<!tpu.dma_semaphore, #tpu.memory_space<semaphore_mem>>
    %dma_wait3A_137 = arith.constant 0 : i32
    %dma_wait3A_138 = arith.constant 0 : i32
    %dma_wait3A_139 = tpu.memref_slice %arg9[%dma_wait3A, %dma_wait3A_137, %dma_wait3A_138] : memref<3x512x64xf32, #tpu.memory_space<vmem>> -> memref<1x512x64xf32, #tpu.memory_space<vmem>>
    %dma_wait3A_140 = tpu.memref_squeeze %dma_wait3A_139 : memref<1x512x64xf32, #tpu.memory_space<vmem>> -> memref<512x64xf32, #tpu.memory_space<vmem>>
    %dma_wait3A_141 = arith.constant 0 : i32
    %dma_wait3A_142 = arith.constant 0 : i32
    %dma_wait3A_143 = tpu.memref_slice %arg2[%dma_wait3A_141, %dma_wait3A_142] : memref<100000x64xf32, #tpu.memory_space<hbm>> -> memref<512x64xf32, #tpu.memory_space<hbm>>
    tpu.wait_dma2 semaphore(%dma_wait3A_136 : memref<!tpu.dma_semaphore, #tpu.memory_space<semaphore_mem>>) src(%dma_wait3A_143 : memref<512x64xf32, #tpu.memory_space<hbm>>) dst(%dma_wait3A_140 : memref<512x64xf32, #tpu.memory_space<vmem>>)
    %add3A_144 = arith.constant 0 : i32
    %add3A_145 = arith.addi %mul3A_6, %add3A_144 : i32
    %dma_start3A_146 = arith.constant 0 : i32
    %dma_start3A_147 = arith.constant 0 : i32
    %dma_start3A_148 = arith.constant 0 : i32
    %dma_start3A_149 = arith.constant 0 : i32
    %dma_start3A_150 = tpu.memref_slice %arg9[%dma_start3A_146, %dma_start3A_148, %dma_start3A_149] : memref<3x512x64xf32, #tpu.memory_space<vmem>> -> memref<1x512x64xf32, #tpu.memory_space<vmem>>
    %dma_start3A_151 = tpu.memref_squeeze %dma_start3A_150 : memref<1x512x64xf32, #tpu.memory_space<vmem>> -> memref<512x64xf32, #tpu.memory_space<vmem>>
    %dma_start3A_152 = arith.constant 0 : i32
    %dma_start3A_153 = tpu.memref_slice %arg6[%add3A_145, %dma_start3A_152] : memref<229376x64xf32, #tpu.memory_space<hbm>> -> memref<512x64xf32, #tpu.memory_space<hbm>>
    %dma_start3A_154 = tpu.memref_slice %arg13[%dma_start3A_147] : memref<3x!tpu.dma_semaphore, #tpu.memory_space<semaphore_mem>> -> memref<1x!tpu.dma_semaphore, #tpu.memory_space<semaphore_mem>>
    %dma_start3A_155 = tpu.memref_squeeze %dma_start3A_154 : memref<1x!tpu.dma_semaphore, #tpu.memory_space<semaphore_mem>> -> memref<!tpu.dma_semaphore, #tpu.memory_space<semaphore_mem>>
    %dma_start3A_156 = arith.constant 0 : i32
    %dma_start3A_157 = tpu.memref_slice %arg6[%add3A_145, %dma_start3A_156] : memref<229376x64xf32, #tpu.memory_space<hbm>> -> memref<512x64xf32, #tpu.memory_space<hbm>>
    %dma_start3A_158 = arith.constant 0 : i32
    %dma_start3A_159 = arith.constant 0 : i32
    %dma_start3A_160 = tpu.memref_slice %arg9[%dma_start3A_146, %dma_start3A_158, %dma_start3A_159] : memref<3x512x64xf32, #tpu.memory_space<vmem>> -> memref<1x512x64xf32, #tpu.memory_space<vmem>>
    %dma_start3A_161 = tpu.memref_squeeze %dma_start3A_160 : memref<1x512x64xf32, #tpu.memory_space<vmem>> -> memref<512x64xf32, #tpu.memory_space<vmem>>
    tpu.enqueue_dma source(%dma_start3A_161 : memref<512x64xf32, #tpu.memory_space<vmem>>) target(%dma_start3A_157 : memref<512x64xf32, #tpu.memory_space<hbm>>) target_semaphore(%dma_start3A_155 : memref<!tpu.dma_semaphore, #tpu.memory_space<semaphore_mem>>)
    %dma_start3A_162 = arith.constant 8 : i32
    %dma_start3A_163 = arith.constant 2 : i32
    %dma_start3A_164 = arith.constant 2 : i32
    %dma_start3A_165 = arith.constant 0 : i32
    %dma_start3A_166 = arith.constant 0 : i32
    %dma_start3A_167 = tpu.memref_slice %arg9[%dma_start3A_163, %dma_start3A_165, %dma_start3A_166] : memref<3x512x64xf32, #tpu.memory_space<vmem>> -> memref<1x128x64xf32, #tpu.memory_space<vmem>>
    %dma_start3A_168 = tpu.memref_squeeze %dma_start3A_167 : memref<1x128x64xf32, #tpu.memory_space<vmem>> -> memref<128x64xf32, #tpu.memory_space<vmem>>
    %dma_start3A_169 = arith.constant 0 : i32
    %dma_start3A_170 = tpu.memref_slice %arg8[%dma_start3A_162, %dma_start3A_169] : memref<56x128xi32, #tpu.memory_space<vmem>> -> memref<1x128xi32, #tpu.memory_space<vmem>>
    %dma_start3A_171 = tpu.memref_squeeze %dma_start3A_170 : memref<1x128xi32, #tpu.memory_space<vmem>> -> memref<128xi32, #tpu.memory_space<vmem>>
    %dma_start3A_172 = arith.constant 0 : i32
    %dma_start3A_173 = arith.constant 0 : i32
    %dma_start3A_174 = tpu.memref_slice %arg2[%dma_start3A_172, %dma_start3A_173] : memref<100000x64xf32, #tpu.memory_space<hbm>> -> memref<100000x64xf32, #tpu.memory_space<hbm>>
    %dma_start3A_175 = tpu.memref_slice %arg12[%dma_start3A_164] : memref<3x!tpu.dma_semaphore, #tpu.memory_space<semaphore_mem>> -> memref<1x!tpu.dma_semaphore, #tpu.memory_space<semaphore_mem>>
    %dma_start3A_176 = tpu.memref_squeeze %dma_start3A_175 : memref<1x!tpu.dma_semaphore, #tpu.memory_space<semaphore_mem>> -> memref<!tpu.dma_semaphore, #tpu.memory_space<semaphore_mem>>
    tpu.enqueue_indirect_dma source(%dma_start3A_174 : memref<100000x64xf32, #tpu.memory_space<hbm>>) target(%dma_start3A_168 : memref<128x64xf32, #tpu.memory_space<vmem>>) offsets(%dma_start3A_171 : memref<128xi32, #tpu.memory_space<vmem>>) semaphore(%dma_start3A_176 : memref<!tpu.dma_semaphore, #tpu.memory_space<semaphore_mem>>)
    %dma_start3A_177 = arith.constant 9 : i32
    %dma_start3A_178 = arith.constant 2 : i32
    %dma_start3A_179 = arith.constant 2 : i32
    %dma_start3A_180 = arith.constant 128 : i32
    %dma_start3A_181 = arith.constant 0 : i32
    %dma_start3A_182 = tpu.memref_slice %arg9[%dma_start3A_178, %dma_start3A_180, %dma_start3A_181] : memref<3x512x64xf32, #tpu.memory_space<vmem>> -> memref<1x128x64xf32, #tpu.memory_space<vmem>>
    %dma_start3A_183 = tpu.memref_squeeze %dma_start3A_182 : memref<1x128x64xf32, #tpu.memory_space<vmem>> -> memref<128x64xf32, #tpu.memory_space<vmem>>
    %dma_start3A_184 = arith.constant 0 : i32
    %dma_start3A_185 = tpu.memref_slice %arg8[%dma_start3A_177, %dma_start3A_184] : memref<56x128xi32, #tpu.memory_space<vmem>> -> memref<1x128xi32, #tpu.memory_space<vmem>>
    %dma_start3A_186 = tpu.memref_squeeze %dma_start3A_185 : memref<1x128xi32, #tpu.memory_space<vmem>> -> memref<128xi32, #tpu.memory_space<vmem>>
    %dma_start3A_187 = arith.constant 0 : i32
    %dma_start3A_188 = arith.constant 0 : i32
    %dma_start3A_189 = tpu.memref_slice %arg2[%dma_start3A_187, %dma_start3A_188] : memref<100000x64xf32, #tpu.memory_space<hbm>> -> memref<100000x64xf32, #tpu.memory_space<hbm>>
    %dma_start3A_190 = tpu.memref_slice %arg12[%dma_start3A_179] : memref<3x!tpu.dma_semaphore, #tpu.memory_space<semaphore_mem>> -> memref<1x!tpu.dma_semaphore, #tpu.memory_space<semaphore_mem>>
    %dma_start3A_191 = tpu.memref_squeeze %dma_start3A_190 : memref<1x!tpu.dma_semaphore, #tpu.memory_space<semaphore_mem>> -> memref<!tpu.dma_semaphore, #tpu.memory_space<semaphore_mem>>
    tpu.enqueue_indirect_dma source(%dma_start3A_189 : memref<100000x64xf32, #tpu.memory_space<hbm>>) target(%dma_start3A_183 : memref<128x64xf32, #tpu.memory_space<vmem>>) offsets(%dma_start3A_186 : memref<128xi32, #tpu.memory_space<vmem>>) semaphore(%dma_start3A_191 : memref<!tpu.dma_semaphore, #tpu.memory_space<semaphore_mem>>)
    %dma_start3A_192 = arith.constant 10 : i32
    %dma_start3A_193 = arith.constant 2 : i32
    %dma_start3A_194 = arith.constant 2 : i32
    %dma_start3A_195 = arith.constant 256 : i32
    %dma_start3A_196 = arith.constant 0 : i32
    %dma_start3A_197 = tpu.memref_slice %arg9[%dma_start3A_193, %dma_start3A_195, %dma_start3A_196] : memref<3x512x64xf32, #tpu.memory_space<vmem>> -> memref<1x128x64xf32, #tpu.memory_space<vmem>>
    %dma_start3A_198 = tpu.memref_squeeze %dma_start3A_197 : memref<1x128x64xf32, #tpu.memory_space<vmem>> -> memref<128x64xf32, #tpu.memory_space<vmem>>
    %dma_start3A_199 = arith.constant 0 : i32
    %dma_start3A_200 = tpu.memref_slice %arg8[%dma_start3A_192, %dma_start3A_199] : memref<56x128xi32, #tpu.memory_space<vmem>> -> memref<1x128xi32, #tpu.memory_space<vmem>>
    %dma_start3A_201 = tpu.memref_squeeze %dma_start3A_200 : memref<1x128xi32, #tpu.memory_space<vmem>> -> memref<128xi32, #tpu.memory_space<vmem>>
    %dma_start3A_202 = arith.constant 0 : i32
    %dma_start3A_203 = arith.constant 0 : i32
    %dma_start3A_204 = tpu.memref_slice %arg2[%dma_start3A_202, %dma_start3A_203] : memref<100000x64xf32, #tpu.memory_space<hbm>> -> memref<100000x64xf32, #tpu.memory_space<hbm>>
    %dma_start3A_205 = tpu.memref_slice %arg12[%dma_start3A_194] : memref<3x!tpu.dma_semaphore, #tpu.memory_space<semaphore_mem>> -> memref<1x!tpu.dma_semaphore, #tpu.memory_space<semaphore_mem>>
    %dma_start3A_206 = tpu.memref_squeeze %dma_start3A_205 : memref<1x!tpu.dma_semaphore, #tpu.memory_space<semaphore_mem>> -> memref<!tpu.dma_semaphore, #tpu.memory_space<semaphore_mem>>
    tpu.enqueue_indirect_dma source(%dma_start3A_204 : memref<100000x64xf32, #tpu.memory_space<hbm>>) target(%dma_start3A_198 : memref<128x64xf32, #tpu.memory_space<vmem>>) offsets(%dma_start3A_201 : memref<128xi32, #tpu.memory_space<vmem>>) semaphore(%dma_start3A_206 : memref<!tpu.dma_semaphore, #tpu.memory_space<semaphore_mem>>)
    %dma_start3A_207 = arith.constant 11 : i32
    %dma_start3A_208 = arith.constant 2 : i32
    %dma_start3A_209 = arith.constant 2 : i32
    %dma_start3A_210 = arith.constant 384 : i32
    %dma_start3A_211 = arith.constant 0 : i32
    %dma_start3A_212 = tpu.memref_slice %arg9[%dma_start3A_208, %dma_start3A_210, %dma_start3A_211] : memref<3x512x64xf32, #tpu.memory_space<vmem>> -> memref<1x128x64xf32, #tpu.memory_space<vmem>>
    %dma_start3A_213 = tpu.memref_squeeze %dma_start3A_212 : memref<1x128x64xf32, #tpu.memory_space<vmem>> -> memref<128x64xf32, #tpu.memory_space<vmem>>
    %dma_start3A_214 = arith.constant 0 : i32
    %dma_start3A_215 = tpu.memref_slice %arg8[%dma_start3A_207, %dma_start3A_214] : memref<56x128xi32, #tpu.memory_space<vmem>> -> memref<1x128xi32, #tpu.memory_space<vmem>>
    %dma_start3A_216 = tpu.memref_squeeze %dma_start3A_215 : memref<1x128xi32, #tpu.memory_space<vmem>> -> memref<128xi32, #tpu.memory_space<vmem>>
    %dma_start3A_217 = arith.constant 0 : i32
    %dma_start3A_218 = arith.constant 0 : i32
    %dma_start3A_219 = tpu.memref_slice %arg2[%dma_start3A_217, %dma_start3A_218] : memref<100000x64xf32, #tpu.memory_space<hbm>> -> memref<100000x64xf32, #tpu.memory_space<hbm>>
    %dma_start3A_220 = tpu.memref_slice %arg12[%dma_start3A_209] : memref<3x!tpu.dma_semaphore, #tpu.memory_space<semaphore_mem>> -> memref<1x!tpu.dma_semaphore, #tpu.memory_space<semaphore_mem>>
    %dma_start3A_221 = tpu.memref_squeeze %dma_start3A_220 : memref<1x!tpu.dma_semaphore, #tpu.memory_space<semaphore_mem>> -> memref<!tpu.dma_semaphore, #tpu.memory_space<semaphore_mem>>
    tpu.enqueue_indirect_dma source(%dma_start3A_219 : memref<100000x64xf32, #tpu.memory_space<hbm>>) target(%dma_start3A_213 : memref<128x64xf32, #tpu.memory_space<vmem>>) offsets(%dma_start3A_216 : memref<128xi32, #tpu.memory_space<vmem>>) semaphore(%dma_start3A_221 : memref<!tpu.dma_semaphore, #tpu.memory_space<semaphore_mem>>)
    %scan3A = arith.constant 0 : i32
    %scan3A_222 = arith.constant 1 : i32
    %scan3A_223 = arith.constant 11 : i32
    %scan3A_224 = arith.addi %scan3A_222, %scan3A_223 : i32
    %scan3A_225 = arith.constant 1 : i32
    scf.for %scan3A_352 = %scan3A_222 to %scan3A_224 step %scan3A_225  : i32 {
      %rem3A = arith.constant 3 : i32
      %rem3A_353 = arith.remsi %scan3A_352, %rem3A : i32
      %add3A_354 = arith.constant 2 : i32
      %add3A_355 = arith.addi %scan3A_352, %add3A_354 : i32
      %rem3A_356 = arith.constant 3 : i32
      %rem3A_357 = arith.remsi %add3A_355, %rem3A_356 : i32
      %dma_wait3A_358 = arith.constant 0 : i32
      %dma_wait3A_359 = arith.constant 0 : i32
      %dma_wait3A_360 = tpu.memref_slice %arg9[%rem3A_353, %dma_wait3A_358, %dma_wait3A_359] : memref<3x512x64xf32, #tpu.memory_space<vmem>> -> memref<1x512x64xf32, #tpu.memory_space<vmem>>
      %dma_wait3A_361 = tpu.memref_squeeze %dma_wait3A_360 : memref<1x512x64xf32, #tpu.memory_space<vmem>> -> memref<512x64xf32, #tpu.memory_space<vmem>>
      %dma_wait3A_362 = arith.constant 0 : i32
      %dma_wait3A_363 = arith.constant 0 : i32
      %dma_wait3A_364 = tpu.memref_slice %arg2[%dma_wait3A_362, %dma_wait3A_363] : memref<100000x64xf32, #tpu.memory_space<hbm>> -> memref<512x64xf32, #tpu.memory_space<hbm>>
      %dma_wait3A_365 = tpu.memref_slice %arg12[%rem3A_353] : memref<3x!tpu.dma_semaphore, #tpu.memory_space<semaphore_mem>> -> memref<1x!tpu.dma_semaphore, #tpu.memory_space<semaphore_mem>>
      %dma_wait3A_366 = tpu.memref_squeeze %dma_wait3A_365 : memref<1x!tpu.dma_semaphore, #tpu.memory_space<semaphore_mem>> -> memref<!tpu.dma_semaphore, #tpu.memory_space<semaphore_mem>>
      %dma_wait3A_367 = arith.constant 0 : i32
      %dma_wait3A_368 = arith.constant 0 : i32
      %dma_wait3A_369 = tpu.memref_slice %arg9[%rem3A_353, %dma_wait3A_367, %dma_wait3A_368] : memref<3x512x64xf32, #tpu.memory_space<vmem>> -> memref<1x512x64xf32, #tpu.memory_space<vmem>>
      %dma_wait3A_370 = tpu.memref_squeeze %dma_wait3A_369 : memref<1x512x64xf32, #tpu.memory_space<vmem>> -> memref<512x64xf32, #tpu.memory_space<vmem>>
      %dma_wait3A_371 = arith.constant 0 : i32
      %dma_wait3A_372 = arith.constant 0 : i32
      %dma_wait3A_373 = tpu.memref_slice %arg2[%dma_wait3A_371, %dma_wait3A_372] : memref<100000x64xf32, #tpu.memory_space<hbm>> -> memref<512x64xf32, #tpu.memory_space<hbm>>
      tpu.wait_dma2 semaphore(%dma_wait3A_366 : memref<!tpu.dma_semaphore, #tpu.memory_space<semaphore_mem>>) src(%dma_wait3A_373 : memref<512x64xf32, #tpu.memory_space<hbm>>) dst(%dma_wait3A_370 : memref<512x64xf32, #tpu.memory_space<vmem>>)
      %mul3A_374 = arith.constant 512 : i32
      %mul3A_375 = arith.muli %scan3A_352, %mul3A_374 : i32
      %add3A_376 = arith.addi %mul3A_6, %mul3A_375 : i32
      %dma_start3A_377 = arith.constant 0 : i32
      %dma_start3A_378 = arith.constant 0 : i32
      %dma_start3A_379 = tpu.memref_slice %arg9[%rem3A_353, %dma_start3A_377, %dma_start3A_378] : memref<3x512x64xf32, #tpu.memory_space<vmem>> -> memref<1x512x64xf32, #tpu.memory_space<vmem>>
      %dma_start3A_380 = tpu.memref_squeeze %dma_start3A_379 : memref<1x512x64xf32, #tpu.memory_space<vmem>> -> memref<512x64xf32, #tpu.memory_space<vmem>>
      %dma_start3A_381 = arith.constant 0 : i32
      %dma_start3A_382 = tpu.memref_slice %arg6[%add3A_376, %dma_start3A_381] : memref<229376x64xf32, #tpu.memory_space<hbm>> -> memref<512x64xf32, #tpu.memory_space<hbm>>
      %dma_start3A_383 = tpu.memref_slice %arg13[%rem3A_353] : memref<3x!tpu.dma_semaphore, #tpu.memory_space<semaphore_mem>> -> memref<1x!tpu.dma_semaphore, #tpu.memory_space<semaphore_mem>>
      %dma_start3A_384 = tpu.memref_squeeze %dma_start3A_383 : memref<1x!tpu.dma_semaphore, #tpu.memory_space<semaphore_mem>> -> memref<!tpu.dma_semaphore, #tpu.memory_space<semaphore_mem>>
      %dma_start3A_385 = arith.constant 0 : i32
      %dma_start3A_386 = tpu.memref_slice %arg6[%add3A_376, %dma_start3A_385] : memref<229376x64xf32, #tpu.memory_space<hbm>> -> memref<512x64xf32, #tpu.memory_space<hbm>>
      %dma_start3A_387 = arith.constant 0 : i32
      %dma_start3A_388 = arith.constant 0 : i32
      %dma_start3A_389 = tpu.memref_slice %arg9[%rem3A_353, %dma_start3A_387, %dma_start3A_388] : memref<3x512x64xf32, #tpu.memory_space<vmem>> -> memref<1x512x64xf32, #tpu.memory_space<vmem>>
      %dma_start3A_390 = tpu.memref_squeeze %dma_start3A_389 : memref<1x512x64xf32, #tpu.memory_space<vmem>> -> memref<512x64xf32, #tpu.memory_space<vmem>>
      tpu.enqueue_dma source(%dma_start3A_390 : memref<512x64xf32, #tpu.memory_space<vmem>>) target(%dma_start3A_386 : memref<512x64xf32, #tpu.memory_space<hbm>>) target_semaphore(%dma_start3A_384 : memref<!tpu.dma_semaphore, #tpu.memory_space<semaphore_mem>>)
      %dma_wait3A_391 = arith.constant 0 : i32
      %dma_wait3A_392 = arith.constant 0 : i32
      %dma_wait3A_393 = tpu.memref_slice %arg9[%rem3A_357, %dma_wait3A_391, %dma_wait3A_392] : memref<3x512x64xf32, #tpu.memory_space<vmem>> -> memref<1x512x64xf32, #tpu.memory_space<vmem>>
      %dma_wait3A_394 = tpu.memref_squeeze %dma_wait3A_393 : memref<1x512x64xf32, #tpu.memory_space<vmem>> -> memref<512x64xf32, #tpu.memory_space<vmem>>
      %dma_wait3A_395 = arith.constant 0 : i32
      %dma_wait3A_396 = tpu.memref_slice %arg6[%mul3A_6, %dma_wait3A_395] : memref<229376x64xf32, #tpu.memory_space<hbm>> -> memref<512x64xf32, #tpu.memory_space<hbm>>
      %dma_wait3A_397 = tpu.memref_slice %arg13[%rem3A_357] : memref<3x!tpu.dma_semaphore, #tpu.memory_space<semaphore_mem>> -> memref<1x!tpu.dma_semaphore, #tpu.memory_space<semaphore_mem>>
      %dma_wait3A_398 = tpu.memref_squeeze %dma_wait3A_397 : memref<1x!tpu.dma_semaphore, #tpu.memory_space<semaphore_mem>> -> memref<!tpu.dma_semaphore, #tpu.memory_space<semaphore_mem>>
      %dma_wait3A_399 = arith.constant 0 : i32
      %dma_wait3A_400 = tpu.memref_slice %arg6[%mul3A_6, %dma_wait3A_399] : memref<229376x64xf32, #tpu.memory_space<hbm>> -> memref<512x64xf32, #tpu.memory_space<hbm>>
      %dma_wait3A_401 = arith.constant 0 : i32
      %dma_wait3A_402 = arith.constant 0 : i32
      %dma_wait3A_403 = tpu.memref_slice %arg9[%rem3A_357, %dma_wait3A_401, %dma_wait3A_402] : memref<3x512x64xf32, #tpu.memory_space<vmem>> -> memref<1x512x64xf32, #tpu.memory_space<vmem>>
      %dma_wait3A_404 = tpu.memref_squeeze %dma_wait3A_403 : memref<1x512x64xf32, #tpu.memory_space<vmem>> -> memref<512x64xf32, #tpu.memory_space<vmem>>
      tpu.wait_dma2 semaphore(%dma_wait3A_398 : memref<!tpu.dma_semaphore, #tpu.memory_space<semaphore_mem>>) src(%dma_wait3A_404 : memref<512x64xf32, #tpu.memory_space<vmem>>) dst(%dma_wait3A_400 : memref<512x64xf32, #tpu.memory_space<hbm>>)
      %add3A_405 = arith.constant 2 : i32
      %add3A_406 = arith.addi %scan3A_352, %add3A_405 : i32
      %mul3A_407 = arith.constant 4 : i32
      %mul3A_408 = arith.muli %add3A_406, %mul3A_407 : i32
      %add3A_409 = arith.constant 0 : i32
      %add3A_410 = arith.addi %mul3A_408, %add3A_409 : i32
      %dma_start3A_411 = arith.constant 0 : i32
      %dma_start3A_412 = arith.constant 0 : i32
      %dma_start3A_413 = tpu.memref_slice %arg9[%rem3A_357, %dma_start3A_411, %dma_start3A_412] : memref<3x512x64xf32, #tpu.memory_space<vmem>> -> memref<1x128x64xf32, #tpu.memory_space<vmem>>
      %dma_start3A_414 = tpu.memref_squeeze %dma_start3A_413 : memref<1x128x64xf32, #tpu.memory_space<vmem>> -> memref<128x64xf32, #tpu.memory_space<vmem>>
      %dma_start3A_415 = arith.constant 0 : i32
      %dma_start3A_416 = tpu.memref_slice %arg8[%add3A_410, %dma_start3A_415] : memref<56x128xi32, #tpu.memory_space<vmem>> -> memref<1x128xi32, #tpu.memory_space<vmem>>
      %dma_start3A_417 = tpu.memref_squeeze %dma_start3A_416 : memref<1x128xi32, #tpu.memory_space<vmem>> -> memref<128xi32, #tpu.memory_space<vmem>>
      %dma_start3A_418 = arith.constant 0 : i32
      %dma_start3A_419 = arith.constant 0 : i32
      %dma_start3A_420 = tpu.memref_slice %arg2[%dma_start3A_418, %dma_start3A_419] : memref<100000x64xf32, #tpu.memory_space<hbm>> -> memref<100000x64xf32, #tpu.memory_space<hbm>>
      %dma_start3A_421 = tpu.memref_slice %arg12[%rem3A_357] : memref<3x!tpu.dma_semaphore, #tpu.memory_space<semaphore_mem>> -> memref<1x!tpu.dma_semaphore, #tpu.memory_space<semaphore_mem>>
      %dma_start3A_422 = tpu.memref_squeeze %dma_start3A_421 : memref<1x!tpu.dma_semaphore, #tpu.memory_space<semaphore_mem>> -> memref<!tpu.dma_semaphore, #tpu.memory_space<semaphore_mem>>
      tpu.enqueue_indirect_dma source(%dma_start3A_420 : memref<100000x64xf32, #tpu.memory_space<hbm>>) target(%dma_start3A_414 : memref<128x64xf32, #tpu.memory_space<vmem>>) offsets(%dma_start3A_417 : memref<128xi32, #tpu.memory_space<vmem>>) semaphore(%dma_start3A_422 : memref<!tpu.dma_semaphore, #tpu.memory_space<semaphore_mem>>)
      %mul3A_423 = arith.constant 4 : i32
      %mul3A_424 = arith.muli %add3A_406, %mul3A_423 : i32
      %add3A_425 = arith.constant 1 : i32
      %add3A_426 = arith.addi %mul3A_424, %add3A_425 : i32
      %dma_start3A_427 = arith.constant 128 : i32
      %dma_start3A_428 = arith.constant 0 : i32
      %dma_start3A_429 = tpu.memref_slice %arg9[%rem3A_357, %dma_start3A_427, %dma_start3A_428] : memref<3x512x64xf32, #tpu.memory_space<vmem>> -> memref<1x128x64xf32, #tpu.memory_space<vmem>>
      %dma_start3A_430 = tpu.memref_squeeze %dma_start3A_429 : memref<1x128x64xf32, #tpu.memory_space<vmem>> -> memref<128x64xf32, #tpu.memory_space<vmem>>
      %dma_start3A_431 = arith.constant 0 : i32
      %dma_start3A_432 = tpu.memref_slice %arg8[%add3A_426, %dma_start3A_431] : memref<56x128xi32, #tpu.memory_space<vmem>> -> memref<1x128xi32, #tpu.memory_space<vmem>>
      %dma_start3A_433 = tpu.memref_squeeze %dma_start3A_432 : memref<1x128xi32, #tpu.memory_space<vmem>> -> memref<128xi32, #tpu.memory_space<vmem>>
      %dma_start3A_434 = arith.constant 0 : i32
      %dma_start3A_435 = arith.constant 0 : i32
      %dma_start3A_436 = tpu.memref_slice %arg2[%dma_start3A_434, %dma_start3A_435] : memref<100000x64xf32, #tpu.memory_space<hbm>> -> memref<100000x64xf32, #tpu.memory_space<hbm>>
      %dma_start3A_437 = tpu.memref_slice %arg12[%rem3A_357] : memref<3x!tpu.dma_semaphore, #tpu.memory_space<semaphore_mem>> -> memref<1x!tpu.dma_semaphore, #tpu.memory_space<semaphore_mem>>
      %dma_start3A_438 = tpu.memref_squeeze %dma_start3A_437 : memref<1x!tpu.dma_semaphore, #tpu.memory_space<semaphore_mem>> -> memref<!tpu.dma_semaphore, #tpu.memory_space<semaphore_mem>>
      tpu.enqueue_indirect_dma source(%dma_start3A_436 : memref<100000x64xf32, #tpu.memory_space<hbm>>) target(%dma_start3A_430 : memref<128x64xf32, #tpu.memory_space<vmem>>) offsets(%dma_start3A_433 : memref<128xi32, #tpu.memory_space<vmem>>) semaphore(%dma_start3A_438 : memref<!tpu.dma_semaphore, #tpu.memory_space<semaphore_mem>>)
      %mul3A_439 = arith.constant 4 : i32
      %mul3A_440 = arith.muli %add3A_406, %mul3A_439 : i32
      %add3A_441 = arith.constant 2 : i32
      %add3A_442 = arith.addi %mul3A_440, %add3A_441 : i32
      %dma_start3A_443 = arith.constant 256 : i32
      %dma_start3A_444 = arith.constant 0 : i32
      %dma_start3A_445 = tpu.memref_slice %arg9[%rem3A_357, %dma_start3A_443, %dma_start3A_444] : memref<3x512x64xf32, #tpu.memory_space<vmem>> -> memref<1x128x64xf32, #tpu.memory_space<vmem>>
      %dma_start3A_446 = tpu.memref_squeeze %dma_start3A_445 : memref<1x128x64xf32, #tpu.memory_space<vmem>> -> memref<128x64xf32, #tpu.memory_space<vmem>>
      %dma_start3A_447 = arith.constant 0 : i32
      %dma_start3A_448 = tpu.memref_slice %arg8[%add3A_442, %dma_start3A_447] : memref<56x128xi32, #tpu.memory_space<vmem>> -> memref<1x128xi32, #tpu.memory_space<vmem>>
      %dma_start3A_449 = tpu.memref_squeeze %dma_start3A_448 : memref<1x128xi32, #tpu.memory_space<vmem>> -> memref<128xi32, #tpu.memory_space<vmem>>
      %dma_start3A_450 = arith.constant 0 : i32
      %dma_start3A_451 = arith.constant 0 : i32
      %dma_start3A_452 = tpu.memref_slice %arg2[%dma_start3A_450, %dma_start3A_451] : memref<100000x64xf32, #tpu.memory_space<hbm>> -> memref<100000x64xf32, #tpu.memory_space<hbm>>
      %dma_start3A_453 = tpu.memref_slice %arg12[%rem3A_357] : memref<3x!tpu.dma_semaphore, #tpu.memory_space<semaphore_mem>> -> memref<1x!tpu.dma_semaphore, #tpu.memory_space<semaphore_mem>>
      %dma_start3A_454 = tpu.memref_squeeze %dma_start3A_453 : memref<1x!tpu.dma_semaphore, #tpu.memory_space<semaphore_mem>> -> memref<!tpu.dma_semaphore, #tpu.memory_space<semaphore_mem>>
      tpu.enqueue_indirect_dma source(%dma_start3A_452 : memref<100000x64xf32, #tpu.memory_space<hbm>>) target(%dma_start3A_446 : memref<128x64xf32, #tpu.memory_space<vmem>>) offsets(%dma_start3A_449 : memref<128xi32, #tpu.memory_space<vmem>>) semaphore(%dma_start3A_454 : memref<!tpu.dma_semaphore, #tpu.memory_space<semaphore_mem>>)
      %mul3A_455 = arith.constant 4 : i32
      %mul3A_456 = arith.muli %add3A_406, %mul3A_455 : i32
      %add3A_457 = arith.constant 3 : i32
      %add3A_458 = arith.addi %mul3A_456, %add3A_457 : i32
      %dma_start3A_459 = arith.constant 384 : i32
      %dma_start3A_460 = arith.constant 0 : i32
      %dma_start3A_461 = tpu.memref_slice %arg9[%rem3A_357, %dma_start3A_459, %dma_start3A_460] : memref<3x512x64xf32, #tpu.memory_space<vmem>> -> memref<1x128x64xf32, #tpu.memory_space<vmem>>
      %dma_start3A_462 = tpu.memref_squeeze %dma_start3A_461 : memref<1x128x64xf32, #tpu.memory_space<vmem>> -> memref<128x64xf32, #tpu.memory_space<vmem>>
      %dma_start3A_463 = arith.constant 0 : i32
      %dma_start3A_464 = tpu.memref_slice %arg8[%add3A_458, %dma_start3A_463] : memref<56x128xi32, #tpu.memory_space<vmem>> -> memref<1x128xi32, #tpu.memory_space<vmem>>
      %dma_start3A_465 = tpu.memref_squeeze %dma_start3A_464 : memref<1x128xi32, #tpu.memory_space<vmem>> -> memref<128xi32, #tpu.memory_space<vmem>>
      %dma_start3A_466 = arith.constant 0 : i32
      %dma_start3A_467 = arith.constant 0 : i32
      %dma_start3A_468 = tpu.memref_slice %arg2[%dma_start3A_466, %dma_start3A_467] : memref<100000x64xf32, #tpu.memory_space<hbm>> -> memref<100000x64xf32, #tpu.memory_space<hbm>>
      %dma_start3A_469 = tpu.memref_slice %arg12[%rem3A_357] : memref<3x!tpu.dma_semaphore, #tpu.memory_space<semaphore_mem>> -> memref<1x!tpu.dma_semaphore, #tpu.memory_space<semaphore_mem>>
      %dma_start3A_470 = tpu.memref_squeeze %dma_start3A_469 : memref<1x!tpu.dma_semaphore, #tpu.memory_space<semaphore_mem>> -> memref<!tpu.dma_semaphore, #tpu.memory_space<semaphore_mem>>
      tpu.enqueue_indirect_dma source(%dma_start3A_468 : memref<100000x64xf32, #tpu.memory_space<hbm>>) target(%dma_start3A_462 : memref<128x64xf32, #tpu.memory_space<vmem>>) offsets(%dma_start3A_465 : memref<128xi32, #tpu.memory_space<vmem>>) semaphore(%dma_start3A_470 : memref<!tpu.dma_semaphore, #tpu.memory_space<semaphore_mem>>)
    }
    %scan3A_226 = arith.constant 11 : i32
    %dma_wait3A_227 = arith.constant 0 : i32
    %dma_wait3A_228 = arith.constant 0 : i32
    %dma_wait3A_229 = arith.constant 0 : i32
    %dma_wait3A_230 = arith.constant 0 : i32
    %dma_wait3A_231 = tpu.memref_slice %arg9[%dma_wait3A_227, %dma_wait3A_229, %dma_wait3A_230] : memref<3x512x64xf32, #tpu.memory_space<vmem>> -> memref<1x512x64xf32, #tpu.memory_space<vmem>>
    %dma_wait3A_232 = tpu.memref_squeeze %dma_wait3A_231 : memref<1x512x64xf32, #tpu.memory_space<vmem>> -> memref<512x64xf32, #tpu.memory_space<vmem>>
    %dma_wait3A_233 = arith.constant 0 : i32
    %dma_wait3A_234 = arith.constant 0 : i32
    %dma_wait3A_235 = tpu.memref_slice %arg2[%dma_wait3A_233, %dma_wait3A_234] : memref<100000x64xf32, #tpu.memory_space<hbm>> -> memref<512x64xf32, #tpu.memory_space<hbm>>
    %dma_wait3A_236 = tpu.memref_slice %arg12[%dma_wait3A_228] : memref<3x!tpu.dma_semaphore, #tpu.memory_space<semaphore_mem>> -> memref<1x!tpu.dma_semaphore, #tpu.memory_space<semaphore_mem>>
    %dma_wait3A_237 = tpu.memref_squeeze %dma_wait3A_236 : memref<1x!tpu.dma_semaphore, #tpu.memory_space<semaphore_mem>> -> memref<!tpu.dma_semaphore, #tpu.memory_space<semaphore_mem>>
    %dma_wait3A_238 = arith.constant 0 : i32
    %dma_wait3A_239 = arith.constant 0 : i32
    %dma_wait3A_240 = tpu.memref_slice %arg9[%dma_wait3A_227, %dma_wait3A_238, %dma_wait3A_239] : memref<3x512x64xf32, #tpu.memory_space<vmem>> -> memref<1x512x64xf32, #tpu.memory_space<vmem>>
    %dma_wait3A_241 = tpu.memref_squeeze %dma_wait3A_240 : memref<1x512x64xf32, #tpu.memory_space<vmem>> -> memref<512x64xf32, #tpu.memory_space<vmem>>
    %dma_wait3A_242 = arith.constant 0 : i32
    %dma_wait3A_243 = arith.constant 0 : i32
    %dma_wait3A_244 = tpu.memref_slice %arg2[%dma_wait3A_242, %dma_wait3A_243] : memref<100000x64xf32, #tpu.memory_space<hbm>> -> memref<512x64xf32, #tpu.memory_space<hbm>>
    tpu.wait_dma2 semaphore(%dma_wait3A_237 : memref<!tpu.dma_semaphore, #tpu.memory_space<semaphore_mem>>) src(%dma_wait3A_244 : memref<512x64xf32, #tpu.memory_space<hbm>>) dst(%dma_wait3A_241 : memref<512x64xf32, #tpu.memory_space<vmem>>)
    %add3A_245 = arith.constant 6144 : i32
    %add3A_246 = arith.addi %mul3A_6, %add3A_245 : i32
    %dma_start3A_247 = arith.constant 0 : i32
    %dma_start3A_248 = arith.constant 0 : i32
    %dma_start3A_249 = arith.constant 0 : i32
    %dma_start3A_250 = arith.constant 0 : i32
    %dma_start3A_251 = tpu.memref_slice %arg9[%dma_start3A_247, %dma_start3A_249, %dma_start3A_250] : memref<3x512x64xf32, #tpu.memory_space<vmem>> -> memref<1x512x64xf32, #tpu.memory_space<vmem>>
    %dma_start3A_252 = tpu.memref_squeeze %dma_start3A_251 : memref<1x512x64xf32, #tpu.memory_space<vmem>> -> memref<512x64xf32, #tpu.memory_space<vmem>>
    %dma_start3A_253 = arith.constant 0 : i32
    %dma_start3A_254 = tpu.memref_slice %arg6[%add3A_246, %dma_start3A_253] : memref<229376x64xf32, #tpu.memory_space<hbm>> -> memref<512x64xf32, #tpu.memory_space<hbm>>
    %dma_start3A_255 = tpu.memref_slice %arg13[%dma_start3A_248] : memref<3x!tpu.dma_semaphore, #tpu.memory_space<semaphore_mem>> -> memref<1x!tpu.dma_semaphore, #tpu.memory_space<semaphore_mem>>
    %dma_start3A_256 = tpu.memref_squeeze %dma_start3A_255 : memref<1x!tpu.dma_semaphore, #tpu.memory_space<semaphore_mem>> -> memref<!tpu.dma_semaphore, #tpu.memory_space<semaphore_mem>>
    %dma_start3A_257 = arith.constant 0 : i32
    %dma_start3A_258 = tpu.memref_slice %arg6[%add3A_246, %dma_start3A_257] : memref<229376x64xf32, #tpu.memory_space<hbm>> -> memref<512x64xf32, #tpu.memory_space<hbm>>
    %dma_start3A_259 = arith.constant 0 : i32
    %dma_start3A_260 = arith.constant 0 : i32
    %dma_start3A_261 = tpu.memref_slice %arg9[%dma_start3A_247, %dma_start3A_259, %dma_start3A_260] : memref<3x512x64xf32, #tpu.memory_space<vmem>> -> memref<1x512x64xf32, #tpu.memory_space<vmem>>
    %dma_start3A_262 = tpu.memref_squeeze %dma_start3A_261 : memref<1x512x64xf32, #tpu.memory_space<vmem>> -> memref<512x64xf32, #tpu.memory_space<vmem>>
    tpu.enqueue_dma source(%dma_start3A_262 : memref<512x64xf32, #tpu.memory_space<vmem>>) target(%dma_start3A_258 : memref<512x64xf32, #tpu.memory_space<hbm>>) target_semaphore(%dma_start3A_256 : memref<!tpu.dma_semaphore, #tpu.memory_space<semaphore_mem>>)
    %dma_wait3A_263 = arith.constant 2 : i32
    %dma_wait3A_264 = arith.constant 2 : i32
    %dma_wait3A_265 = arith.constant 0 : i32
    %dma_wait3A_266 = arith.constant 0 : i32
    %dma_wait3A_267 = tpu.memref_slice %arg9[%dma_wait3A_263, %dma_wait3A_265, %dma_wait3A_266] : memref<3x512x64xf32, #tpu.memory_space<vmem>> -> memref<1x512x64xf32, #tpu.memory_space<vmem>>
    %dma_wait3A_268 = tpu.memref_squeeze %dma_wait3A_267 : memref<1x512x64xf32, #tpu.memory_space<vmem>> -> memref<512x64xf32, #tpu.memory_space<vmem>>
    %dma_wait3A_269 = arith.constant 0 : i32
    %dma_wait3A_270 = tpu.memref_slice %arg6[%mul3A_6, %dma_wait3A_269] : memref<229376x64xf32, #tpu.memory_space<hbm>> -> memref<512x64xf32, #tpu.memory_space<hbm>>
    %dma_wait3A_271 = tpu.memref_slice %arg13[%dma_wait3A_264] : memref<3x!tpu.dma_semaphore, #tpu.memory_space<semaphore_mem>> -> memref<1x!tpu.dma_semaphore, #tpu.memory_space<semaphore_mem>>
    %dma_wait3A_272 = tpu.memref_squeeze %dma_wait3A_271 : memref<1x!tpu.dma_semaphore, #tpu.memory_space<semaphore_mem>> -> memref<!tpu.dma_semaphore, #tpu.memory_space<semaphore_mem>>
    %dma_wait3A_273 = arith.constant 0 : i32
    %dma_wait3A_274 = tpu.memref_slice %arg6[%mul3A_6, %dma_wait3A_273] : memref<229376x64xf32, #tpu.memory_space<hbm>> -> memref<512x64xf32, #tpu.memory_space<hbm>>
    %dma_wait3A_275 = arith.constant 0 : i32
    %dma_wait3A_276 = arith.constant 0 : i32
    %dma_wait3A_277 = tpu.memref_slice %arg9[%dma_wait3A_263, %dma_wait3A_275, %dma_wait3A_276] : memref<3x512x64xf32, #tpu.memory_space<vmem>> -> memref<1x512x64xf32, #tpu.memory_space<vmem>>
    %dma_wait3A_278 = tpu.memref_squeeze %dma_wait3A_277 : memref<1x512x64xf32, #tpu.memory_space<vmem>> -> memref<512x64xf32, #tpu.memory_space<vmem>>
    tpu.wait_dma2 semaphore(%dma_wait3A_272 : memref<!tpu.dma_semaphore, #tpu.memory_space<semaphore_mem>>) src(%dma_wait3A_278 : memref<512x64xf32, #tpu.memory_space<vmem>>) dst(%dma_wait3A_274 : memref<512x64xf32, #tpu.memory_space<hbm>>)
    %dma_wait3A_279 = arith.constant 1 : i32
    %dma_wait3A_280 = arith.constant 1 : i32
    %dma_wait3A_281 = arith.constant 0 : i32
    %dma_wait3A_282 = arith.constant 0 : i32
    %dma_wait3A_283 = tpu.memref_slice %arg9[%dma_wait3A_279, %dma_wait3A_281, %dma_wait3A_282] : memref<3x512x64xf32, #tpu.memory_space<vmem>> -> memref<1x512x64xf32, #tpu.memory_space<vmem>>
    %dma_wait3A_284 = tpu.memref_squeeze %dma_wait3A_283 : memref<1x512x64xf32, #tpu.memory_space<vmem>> -> memref<512x64xf32, #tpu.memory_space<vmem>>
    %dma_wait3A_285 = arith.constant 0 : i32
    %dma_wait3A_286 = arith.constant 0 : i32
    %dma_wait3A_287 = tpu.memref_slice %arg2[%dma_wait3A_285, %dma_wait3A_286] : memref<100000x64xf32, #tpu.memory_space<hbm>> -> memref<512x64xf32, #tpu.memory_space<hbm>>
    %dma_wait3A_288 = tpu.memref_slice %arg12[%dma_wait3A_280] : memref<3x!tpu.dma_semaphore, #tpu.memory_space<semaphore_mem>> -> memref<1x!tpu.dma_semaphore, #tpu.memory_space<semaphore_mem>>
    %dma_wait3A_289 = tpu.memref_squeeze %dma_wait3A_288 : memref<1x!tpu.dma_semaphore, #tpu.memory_space<semaphore_mem>> -> memref<!tpu.dma_semaphore, #tpu.memory_space<semaphore_mem>>
    %dma_wait3A_290 = arith.constant 0 : i32
    %dma_wait3A_291 = arith.constant 0 : i32
    %dma_wait3A_292 = tpu.memref_slice %arg9[%dma_wait3A_279, %dma_wait3A_290, %dma_wait3A_291] : memref<3x512x64xf32, #tpu.memory_space<vmem>> -> memref<1x512x64xf32, #tpu.memory_space<vmem>>
    %dma_wait3A_293 = tpu.memref_squeeze %dma_wait3A_292 : memref<1x512x64xf32, #tpu.memory_space<vmem>> -> memref<512x64xf32, #tpu.memory_space<vmem>>
    %dma_wait3A_294 = arith.constant 0 : i32
    %dma_wait3A_295 = arith.constant 0 : i32
    %dma_wait3A_296 = tpu.memref_slice %arg2[%dma_wait3A_294, %dma_wait3A_295] : memref<100000x64xf32, #tpu.memory_space<hbm>> -> memref<512x64xf32, #tpu.memory_space<hbm>>
    tpu.wait_dma2 semaphore(%dma_wait3A_289 : memref<!tpu.dma_semaphore, #tpu.memory_space<semaphore_mem>>) src(%dma_wait3A_296 : memref<512x64xf32, #tpu.memory_space<hbm>>) dst(%dma_wait3A_293 : memref<512x64xf32, #tpu.memory_space<vmem>>)
    %add3A_297 = arith.constant 6656 : i32
    %add3A_298 = arith.addi %mul3A_6, %add3A_297 : i32
    %dma_start3A_299 = arith.constant 1 : i32
    %dma_start3A_300 = arith.constant 1 : i32
    %dma_start3A_301 = arith.constant 0 : i32
    %dma_start3A_302 = arith.constant 0 : i32
    %dma_start3A_303 = tpu.memref_slice %arg9[%dma_start3A_299, %dma_start3A_301, %dma_start3A_302] : memref<3x512x64xf32, #tpu.memory_space<vmem>> -> memref<1x512x64xf32, #tpu.memory_space<vmem>>
    %dma_start3A_304 = tpu.memref_squeeze %dma_start3A_303 : memref<1x512x64xf32, #tpu.memory_space<vmem>> -> memref<512x64xf32, #tpu.memory_space<vmem>>
    %dma_start3A_305 = arith.constant 0 : i32
    %dma_start3A_306 = tpu.memref_slice %arg6[%add3A_298, %dma_start3A_305] : memref<229376x64xf32, #tpu.memory_space<hbm>> -> memref<512x64xf32, #tpu.memory_space<hbm>>
    %dma_start3A_307 = tpu.memref_slice %arg13[%dma_start3A_300] : memref<3x!tpu.dma_semaphore, #tpu.memory_space<semaphore_mem>> -> memref<1x!tpu.dma_semaphore, #tpu.memory_space<semaphore_mem>>
    %dma_start3A_308 = tpu.memref_squeeze %dma_start3A_307 : memref<1x!tpu.dma_semaphore, #tpu.memory_space<semaphore_mem>> -> memref<!tpu.dma_semaphore, #tpu.memory_space<semaphore_mem>>
    %dma_start3A_309 = arith.constant 0 : i32
    %dma_start3A_310 = tpu.memref_slice %arg6[%add3A_298, %dma_start3A_309] : memref<229376x64xf32, #tpu.memory_space<hbm>> -> memref<512x64xf32, #tpu.memory_space<hbm>>
    %dma_start3A_311 = arith.constant 0 : i32
    %dma_start3A_312 = arith.constant 0 : i32
    %dma_start3A_313 = tpu.memref_slice %arg9[%dma_start3A_299, %dma_start3A_311, %dma_start3A_312] : memref<3x512x64xf32, #tpu.memory_space<vmem>> -> memref<1x512x64xf32, #tpu.memory_space<vmem>>
    %dma_start3A_314 = tpu.memref_squeeze %dma_start3A_313 : memref<1x512x64xf32, #tpu.memory_space<vmem>> -> memref<512x64xf32, #tpu.memory_space<vmem>>
    tpu.enqueue_dma source(%dma_start3A_314 : memref<512x64xf32, #tpu.memory_space<vmem>>) target(%dma_start3A_310 : memref<512x64xf32, #tpu.memory_space<hbm>>) target_semaphore(%dma_start3A_308 : memref<!tpu.dma_semaphore, #tpu.memory_space<semaphore_mem>>)
    %dma_wait3A_315 = arith.constant 0 : i32
    %dma_wait3A_316 = arith.constant 0 : i32
    %dma_wait3A_317 = arith.constant 0 : i32
    %dma_wait3A_318 = arith.constant 0 : i32
    %dma_wait3A_319 = tpu.memref_slice %arg9[%dma_wait3A_315, %dma_wait3A_317, %dma_wait3A_318] : memref<3x512x64xf32, #tpu.memory_space<vmem>> -> memref<1x512x64xf32, #tpu.memory_space<vmem>>
    %dma_wait3A_320 = tpu.memref_squeeze %dma_wait3A_319 : memref<1x512x64xf32, #tpu.memory_space<vmem>> -> memref<512x64xf32, #tpu.memory_space<vmem>>
    %dma_wait3A_321 = arith.constant 0 : i32
    %dma_wait3A_322 = tpu.memref_slice %arg6[%mul3A_6, %dma_wait3A_321] : memref<229376x64xf32, #tpu.memory_space<hbm>> -> memref<512x64xf32, #tpu.memory_space<hbm>>
    %dma_wait3A_323 = tpu.memref_slice %arg13[%dma_wait3A_316] : memref<3x!tpu.dma_semaphore, #tpu.memory_space<semaphore_mem>> -> memref<1x!tpu.dma_semaphore, #tpu.memory_space<semaphore_mem>>
    %dma_wait3A_324 = tpu.memref_squeeze %dma_wait3A_323 : memref<1x!tpu.dma_semaphore, #tpu.memory_space<semaphore_mem>> -> memref<!tpu.dma_semaphore, #tpu.memory_space<semaphore_mem>>
    %dma_wait3A_325 = arith.constant 0 : i32
    %dma_wait3A_326 = tpu.memref_slice %arg6[%mul3A_6, %dma_wait3A_325] : memref<229376x64xf32, #tpu.memory_space<hbm>> -> memref<512x64xf32, #tpu.memory_space<hbm>>
    %dma_wait3A_327 = arith.constant 0 : i32
    %dma_wait3A_328 = arith.constant 0 : i32
    %dma_wait3A_329 = tpu.memref_slice %arg9[%dma_wait3A_315, %dma_wait3A_327, %dma_wait3A_328] : memref<3x512x64xf32, #tpu.memory_space<vmem>> -> memref<1x512x64xf32, #tpu.memory_space<vmem>>
    %dma_wait3A_330 = tpu.memref_squeeze %dma_wait3A_329 : memref<1x512x64xf32, #tpu.memory_space<vmem>> -> memref<512x64xf32, #tpu.memory_space<vmem>>
    tpu.wait_dma2 semaphore(%dma_wait3A_324 : memref<!tpu.dma_semaphore, #tpu.memory_space<semaphore_mem>>) src(%dma_wait3A_330 : memref<512x64xf32, #tpu.memory_space<vmem>>) dst(%dma_wait3A_326 : memref<512x64xf32, #tpu.memory_space<hbm>>)
    %dma_wait3A_331 = arith.constant 1 : i32
    %dma_wait3A_332 = arith.constant 1 : i32
    %dma_wait3A_333 = arith.constant 0 : i32
    %dma_wait3A_334 = arith.constant 0 : i32
    %dma_wait3A_335 = tpu.memref_slice %arg9[%dma_wait3A_331, %dma_wait3A_333, %dma_wait3A_334] : memref<3x512x64xf32, #tpu.memory_space<vmem>> -> memref<1x512x64xf32, #tpu.memory_space<vmem>>
    %dma_wait3A_336 = tpu.memref_squeeze %dma_wait3A_335 : memref<1x512x64xf32, #tpu.memory_space<vmem>> -> memref<512x64xf32, #tpu.memory_space<vmem>>
    %dma_wait3A_337 = arith.constant 0 : i32
    %dma_wait3A_338 = tpu.memref_slice %arg6[%mul3A_6, %dma_wait3A_337] : memref<229376x64xf32, #tpu.memory_space<hbm>> -> memref<512x64xf32, #tpu.memory_space<hbm>>
    %dma_wait3A_339 = tpu.memref_slice %arg13[%dma_wait3A_332] : memref<3x!tpu.dma_semaphore, #tpu.memory_space<semaphore_mem>> -> memref<1x!tpu.dma_semaphore, #tpu.memory_space<semaphore_mem>>
    %dma_wait3A_340 = tpu.memref_squeeze %dma_wait3A_339 : memref<1x!tpu.dma_semaphore, #tpu.memory_space<semaphore_mem>> -> memref<!tpu.dma_semaphore, #tpu.memory_space<semaphore_mem>>
    %dma_wait3A_341 = arith.constant 0 : i32
    %dma_wait3A_342 = tpu.memref_slice %arg6[%mul3A_6, %dma_wait3A_341] : memref<229376x64xf32, #tpu.memory_space<hbm>> -> memref<512x64xf32, #tpu.memory_space<hbm>>
    %dma_wait3A_343 = arith.constant 0 : i32
    %dma_wait3A_344 = arith.constant 0 : i32
    %dma_wait3A_345 = tpu.memref_slice %arg9[%dma_wait3A_331, %dma_wait3A_343, %dma_wait3A_344] : memref<3x512x64xf32, #tpu.memory_space<vmem>> -> memref<1x512x64xf32, #tpu.memory_space<vmem>>
    %dma_wait3A_346 = tpu.memref_squeeze %dma_wait3A_345 : memref<1x512x64xf32, #tpu.memory_space<vmem>> -> memref<512x64xf32, #tpu.memory_space<vmem>>
    tpu.wait_dma2 semaphore(%dma_wait3A_340 : memref<!tpu.dma_semaphore, #tpu.memory_space<semaphore_mem>>) src(%dma_wait3A_346 : memref<512x64xf32, #tpu.memory_space<vmem>>) dst(%dma_wait3A_342 : memref<512x64xf32, #tpu.memory_space<hbm>>)
    %dma_wait3A_347 = arith.constant 0 : i32
    %dma_wait3A_348 = arith.constant 0 : i32
    %dma_wait3A_349 = tpu.memref_slice %arg4[%dma_wait3A_347, %dma_wait3A_348] : memref<100000x64xf32, #tpu.memory_space<hbm>> -> memref<100000x64xf32, #tpu.memory_space<hbm>>
    tpu.wait_indirect_dma semaphore(%arg14 : memref<!tpu.dma_semaphore, #tpu.memory_space<semaphore_mem>>) src(%dma_wait3A_349 : memref<100000x64xf32, #tpu.memory_space<hbm>>) dst(%arg11 : memref<128x64xf32, #tpu.memory_space<vmem>>)
    %mul3A_350 = arith.constant 128 : i32
    %mul3A_351 = arith.muli %add3A, %mul3A_350 : i32
    "tpu.region"() ({
      %run_scoped3A = tpu.sem_alloc : memref<!tpu.dma_semaphore, #tpu.memory_space<semaphore_mem>>
      %dma_start3A_352 = arith.constant 0 : i32
      %dma_start3A_353 = tpu.memref_slice %arg7[%mul3A_351, %dma_start3A_352] : memref<4096x64xf32, #tpu.memory_space<hbm>> -> memref<128x64xf32, #tpu.memory_space<hbm>>
      %dma_start3A_354 = arith.constant 0 : i32
      %dma_start3A_355 = tpu.memref_slice %arg7[%mul3A_351, %dma_start3A_354] : memref<4096x64xf32, #tpu.memory_space<hbm>> -> memref<128x64xf32, #tpu.memory_space<hbm>>
      tpu.enqueue_dma source(%arg11 : memref<128x64xf32, #tpu.memory_space<vmem>>) target(%dma_start3A_355 : memref<128x64xf32, #tpu.memory_space<hbm>>) target_semaphore(%run_scoped3A : memref<!tpu.dma_semaphore, #tpu.memory_space<semaphore_mem>>)
      %dma_wait3A_356 = arith.constant 0 : i32
      %dma_wait3A_357 = tpu.memref_slice %arg7[%mul3A_351, %dma_wait3A_356] : memref<4096x64xf32, #tpu.memory_space<hbm>> -> memref<128x64xf32, #tpu.memory_space<hbm>>
      %dma_wait3A_358 = arith.constant 0 : i32
      %dma_wait3A_359 = tpu.memref_slice %arg7[%mul3A_351, %dma_wait3A_358] : memref<4096x64xf32, #tpu.memory_space<hbm>> -> memref<128x64xf32, #tpu.memory_space<hbm>>
      tpu.wait_dma2 semaphore(%run_scoped3A : memref<!tpu.dma_semaphore, #tpu.memory_space<semaphore_mem>>) src(%arg11 : memref<128x64xf32, #tpu.memory_space<vmem>>) dst(%dma_wait3A_359 : memref<128x64xf32, #tpu.memory_space<hbm>>)
      tpu.yield
    }) : () -> ()
    return
  }
}

module attributes {stable_mosaic.version = 14 : i64} {
  func.func @_tc_body(%arg0: i32, %arg1: memref<14336x128xf32, #tpu.memory_space<vmem>>, %arg2: memref<14336x2xi32, #tpu.memory_space<vmem>>, %arg3: memref<512x64xf32, #tpu.memory_space<vmem>>, %arg4: memref<128x128xf32, #tpu.memory_space<vmem>>, %arg5: memref<128x128xf32, #tpu.memory_space<vmem>>, %arg6: memref<128x128xf32, #tpu.memory_space<vmem>>, %arg7: memref<128x128xf32, #tpu.memory_space<vmem>>, %arg8: memref<128x2xf32, #tpu.memory_space<vmem>>, %arg9: memref<64x64xf32, #tpu.memory_space<vmem>>, %arg10: memref<64x64xf32, #tpu.memory_space<vmem>>, %arg11: memref<8x64xf32, #tpu.memory_space<vmem>>, %arg12: memref<1x128xf32, #tpu.memory_space<vmem>>, %arg13: memref<1x128xf32, #tpu.memory_space<vmem>>, %arg14: memref<1x128xf32, #tpu.memory_space<vmem>>, %arg15: memref<1x128xf32, #tpu.memory_space<vmem>>, %arg16: memref<512x64xf32, #tpu.memory_space<vmem>>) attributes {dimension_semantics = [#tpu.dimension_semantics<arbitrary>], iteration_bounds = array<i64: 8>, scalar_prefetch = 0 : i64, scratch_operands = 0 : i64, tpu.core_type = #tpu.core_type<tc>, window_params = [{transform_indices = @transform_0, window_bounds = array<i64: 14336, 128>}, {transform_indices = @transform_1, window_bounds = array<i64: 14336, 2>}, {transform_indices = @transform_2, window_bounds = array<i64: 512, 64>}, {pipeline_mode = #tpu.pipeline_mode<synchronous>, transform_indices = @transform_3, window_bounds = array<i64: 128, 128>}, {pipeline_mode = #tpu.pipeline_mode<synchronous>, transform_indices = @transform_4, window_bounds = array<i64: 128, 128>}, {pipeline_mode = #tpu.pipeline_mode<synchronous>, transform_indices = @transform_5, window_bounds = array<i64: 128, 128>}, {pipeline_mode = #tpu.pipeline_mode<synchronous>, transform_indices = @transform_6, window_bounds = array<i64: 128, 128>}, {pipeline_mode = #tpu.pipeline_mode<synchronous>, transform_indices = @transform_7, window_bounds = array<i64: 128, 2>}, {pipeline_mode = #tpu.pipeline_mode<synchronous>, transform_indices = @transform_8, window_bounds = array<i64: 64, 64>}, {pipeline_mode = #tpu.pipeline_mode<synchronous>, transform_indices = @transform_9, window_bounds = array<i64: 64, 64>}, {pipeline_mode = #tpu.pipeline_mode<synchronous>, transform_indices = @transform_10, window_bounds = array<i64: 8, 64>}, {pipeline_mode = #tpu.pipeline_mode<synchronous>, transform_indices = @transform_11, window_bounds = array<i64: 1, 128>}, {pipeline_mode = #tpu.pipeline_mode<synchronous>, transform_indices = @transform_12, window_bounds = array<i64: 1, 128>}, {pipeline_mode = #tpu.pipeline_mode<synchronous>, transform_indices = @transform_13, window_bounds = array<i64: 1, 128>}, {pipeline_mode = #tpu.pipeline_mode<synchronous>, transform_indices = @transform_14, window_bounds = array<i64: 1, 128>}, {transform_indices = @transform_15, window_bounds = array<i64: 512, 64>}]} {
    %get3A = arith.constant 0 : index
    %get3A_0 = arith.constant 0 : index
    %get3A_1 = vector.load %arg1[%get3A, %get3A_0] : memref<14336x128xf32, #tpu.memory_space<vmem>>, vector<14336x128xf32>
    %get3A_2 = arith.constant 0 : index
    %get3A_3 = arith.constant 0 : index
    %get3A_4 = vector.load %arg2[%get3A_2, %get3A_3] : memref<14336x2xi32, #tpu.memory_space<vmem>>, vector<14336x2xi32>
    %get3A_5 = arith.constant 0 : index
    %get3A_6 = arith.constant 0 : index
    %get3A_7 = vector.load %arg11[%get3A_5, %get3A_6] : memref<8x64xf32, #tpu.memory_space<vmem>>, vector<8x64xf32>
    %get3A_8 = arith.constant 0 : index
    %get3A_9 = arith.constant 0 : index
    %get3A_10 = vector.load %arg10[%get3A_8, %get3A_9] : memref<64x64xf32, #tpu.memory_space<vmem>>, vector<64x64xf32>
    %dot_general3A = arith.constant dense<0.000000e+00> : vector<8x64xf32>
    %dot_general3A_11 = tpu.matmul %get3A_7, %get3A_10, %dot_general3A {dimension_numbers = #tpu.dot_dimension_numbers<[1], [0], [0], [1], [0, 0, 1, 1], [], []>, transpose_lhs_hint = false} : vector<8x64xf32>, vector<64x64xf32>, vector<8x64xf32> -> vector<8x64xf32>
    %concatenate3A = tpu.concatenate %dot_general3A_11, %dot_general3A_11 in 1 : vector<8x64xf32>, vector<8x64xf32> -> vector<8x128xf32>
    %iota3A = tpu.iota {dimensions = array<i32: 1>} : vector<14336x128xi32>
    %lt3A = arith.constant 64 : i32
    %lt3A_12 = vector.broadcast %lt3A : i32 to vector<14336x128xi32>
    %lt3A_13 = arith.cmpi slt, %iota3A, %lt3A_12 : vector<14336x128xi32>
    %slice3A = vector.extract_strided_slice %get3A_4 {offsets = [0, 0], sizes = [14336, 1], strides = [1, 1]} : vector<14336x2xi32> to vector<14336x1xi32>
    %slice3A_14 = vector.extract_strided_slice %get3A_4 {offsets = [0, 1], sizes = [14336, 1], strides = [1, 1]} : vector<14336x2xi32> to vector<14336x1xi32>
    %broadcast_in_dim3A = vector.shape_cast %slice3A : vector<14336x1xi32> to vector<14336x1xi32>
    %broadcast_in_dim3A_15 = vector.broadcast %broadcast_in_dim3A : vector<14336x1xi32> to vector<14336x128xi32>
    %broadcast_in_dim3A_16 = vector.shape_cast %slice3A_14 : vector<14336x1xi32> to vector<14336x1xi32>
    %broadcast_in_dim3A_17 = vector.broadcast %broadcast_in_dim3A_16 : vector<14336x1xi32> to vector<14336x128xi32>
    %select_n3A = arith.select %lt3A_13, %broadcast_in_dim3A_15, %broadcast_in_dim3A_17 : vector<14336x128xi1>, vector<14336x128xi32>
    %and3A = arith.constant 1 : i32
    %and3A_18 = vector.broadcast %and3A : i32 to vector<14336x128xi32>
    %and3A_19 = arith.andi %select_n3A, %and3A_18 : vector<14336x128xi32>
    %eq3A = arith.constant 1 : i32
    %eq3A_20 = vector.broadcast %eq3A : i32 to vector<14336x128xi32>
    %eq3A_21 = arith.cmpi eq, %and3A_19, %eq3A_20 : vector<14336x128xi32>
    %and3A_22 = arith.constant 2 : i32
    %and3A_23 = vector.broadcast %and3A_22 : i32 to vector<14336x128xi32>
    %and3A_24 = arith.andi %select_n3A, %and3A_23 : vector<14336x128xi32>
    %eq3A_25 = arith.constant 2 : i32
    %eq3A_26 = vector.broadcast %eq3A_25 : i32 to vector<14336x128xi32>
    %eq3A_27 = arith.cmpi eq, %and3A_24, %eq3A_26 : vector<14336x128xi32>
    %ge3A = arith.constant 4 : i32
    %ge3A_28 = vector.broadcast %ge3A : i32 to vector<14336x128xi32>
    %ge3A_29 = arith.cmpi sge, %select_n3A, %ge3A_28 : vector<14336x128xi32>
    %slice3A_30 = vector.extract_strided_slice %concatenate3A {offsets = [1, 0], sizes = [1, 128], strides = [1, 1]} : vector<8x128xf32> to vector<1x128xf32>
    %slice3A_31 = vector.extract_strided_slice %concatenate3A {offsets = [0, 0], sizes = [1, 128], strides = [1, 1]} : vector<8x128xf32> to vector<1x128xf32>
    %broadcast_in_dim3A_32 = vector.shape_cast %slice3A_30 : vector<1x128xf32> to vector<1x128xf32>
    %broadcast_in_dim3A_33 = vector.broadcast %broadcast_in_dim3A_32 : vector<1x128xf32> to vector<14336x128xf32>
    %broadcast_in_dim3A_34 = vector.shape_cast %slice3A_31 : vector<1x128xf32> to vector<1x128xf32>
    %broadcast_in_dim3A_35 = vector.broadcast %broadcast_in_dim3A_34 : vector<1x128xf32> to vector<14336x128xf32>
    %select_n3A_36 = arith.select %eq3A_21, %broadcast_in_dim3A_33, %broadcast_in_dim3A_35 : vector<14336x128xi1>, vector<14336x128xf32>
    %slice3A_37 = vector.extract_strided_slice %concatenate3A {offsets = [3, 0], sizes = [1, 128], strides = [1, 1]} : vector<8x128xf32> to vector<1x128xf32>
    %slice3A_38 = vector.extract_strided_slice %concatenate3A {offsets = [2, 0], sizes = [1, 128], strides = [1, 1]} : vector<8x128xf32> to vector<1x128xf32>
    %broadcast_in_dim3A_39 = vector.shape_cast %slice3A_37 : vector<1x128xf32> to vector<1x128xf32>
    %broadcast_in_dim3A_40 = vector.broadcast %broadcast_in_dim3A_39 : vector<1x128xf32> to vector<14336x128xf32>
    %broadcast_in_dim3A_41 = vector.shape_cast %slice3A_38 : vector<1x128xf32> to vector<1x128xf32>
    %broadcast_in_dim3A_42 = vector.broadcast %broadcast_in_dim3A_41 : vector<1x128xf32> to vector<14336x128xf32>
    %select_n3A_43 = arith.select %eq3A_21, %broadcast_in_dim3A_40, %broadcast_in_dim3A_42 : vector<14336x128xi1>, vector<14336x128xf32>
    %slice3A_44 = vector.extract_strided_slice %concatenate3A {offsets = [4, 0], sizes = [1, 128], strides = [1, 1]} : vector<8x128xf32> to vector<1x128xf32>
    %select_n3A_45 = arith.select %eq3A_27, %select_n3A_43, %select_n3A_36 : vector<14336x128xi1>, vector<14336x128xf32>
    %broadcast_in_dim3A_46 = vector.shape_cast %slice3A_44 : vector<1x128xf32> to vector<1x128xf32>
    %broadcast_in_dim3A_47 = vector.broadcast %broadcast_in_dim3A_46 : vector<1x128xf32> to vector<14336x128xf32>
    %select_n3A_48 = arith.select %ge3A_29, %broadcast_in_dim3A_47, %select_n3A_45 : vector<14336x128xi1>, vector<14336x128xf32>
    %get3A_49 = arith.constant 0 : index
    %get3A_50 = arith.constant 0 : index
    %get3A_51 = vector.load %arg4[%get3A_49, %get3A_50] : memref<128x128xf32, #tpu.memory_space<vmem>>, vector<128x128xf32>
    %dot_general3A_52 = arith.constant dense<0.000000e+00> : vector<14336x128xf32>
    %dot_general3A_53 = tpu.matmul %get3A_1, %get3A_51, %dot_general3A_52 {dimension_numbers = #tpu.dot_dimension_numbers<[1], [0], [0], [1], [0, 0, 1, 1], [], []>, transpose_lhs_hint = false} : vector<14336x128xf32>, vector<128x128xf32>, vector<14336x128xf32> -> vector<14336x128xf32>
    %add3A = arith.addf %dot_general3A_53, %select_n3A_48 : vector<14336x128xf32>
    %get3A_54 = arith.constant 0 : index
    %get3A_55 = arith.constant 0 : index
    %get3A_56 = vector.load %arg12[%get3A_54, %get3A_55] : memref<1x128xf32, #tpu.memory_space<vmem>>, vector<1x128xf32>
    %add3A_57 = vector.broadcast %get3A_56 : vector<1x128xf32> to vector<14336x128xf32>
    %add3A_58 = arith.addf %add3A, %add3A_57 : vector<14336x128xf32>
    %max3A = arith.constant 0.000000e+00 : f32
    %max3A_59 = vector.broadcast %max3A : f32 to vector<14336x128xf32>
    %max3A_60 = arith.maximumf %add3A_58, %max3A_59 : vector<14336x128xf32>
    %get3A_61 = arith.constant 0 : index
    %get3A_62 = arith.constant 0 : index
    %get3A_63 = vector.load %arg5[%get3A_61, %get3A_62] : memref<128x128xf32, #tpu.memory_space<vmem>>, vector<128x128xf32>
    %dot_general3A_64 = arith.constant dense<0.000000e+00> : vector<14336x128xf32>
    %dot_general3A_65 = tpu.matmul %max3A_60, %get3A_63, %dot_general3A_64 {dimension_numbers = #tpu.dot_dimension_numbers<[1], [0], [0], [1], [0, 0, 1, 1], [], []>, transpose_lhs_hint = false} : vector<14336x128xf32>, vector<128x128xf32>, vector<14336x128xf32> -> vector<14336x128xf32>
    %get3A_66 = arith.constant 0 : index
    %get3A_67 = arith.constant 0 : index
    %get3A_68 = vector.load %arg13[%get3A_66, %get3A_67] : memref<1x128xf32, #tpu.memory_space<vmem>>, vector<1x128xf32>
    %add3A_69 = vector.broadcast %get3A_68 : vector<1x128xf32> to vector<14336x128xf32>
    %add3A_70 = arith.addf %dot_general3A_65, %add3A_69 : vector<14336x128xf32>
    %max3A_71 = arith.constant 0.000000e+00 : f32
    %max3A_72 = vector.broadcast %max3A_71 : f32 to vector<14336x128xf32>
    %max3A_73 = arith.maximumf %add3A_70, %max3A_72 : vector<14336x128xf32>
    %get3A_74 = arith.constant 0 : index
    %get3A_75 = arith.constant 0 : index
    %get3A_76 = vector.load %arg3[%get3A_74, %get3A_75] : memref<512x64xf32, #tpu.memory_space<vmem>>, vector<512x64xf32>
    %get3A_77 = arith.constant 0 : index
    %get3A_78 = arith.constant 0 : index
    %get3A_79 = vector.load %arg9[%get3A_77, %get3A_78] : memref<64x64xf32, #tpu.memory_space<vmem>>, vector<64x64xf32>
    %dot_general3A_80 = arith.constant dense<0.000000e+00> : vector<512x64xf32>
    %dot_general3A_81 = tpu.matmul %get3A_76, %get3A_79, %dot_general3A_80 {dimension_numbers = #tpu.dot_dimension_numbers<[1], [0], [0], [1], [0, 0, 1, 1], [], []>, transpose_lhs_hint = false} : vector<512x64xf32>, vector<64x64xf32>, vector<512x64xf32> -> vector<512x64xf32>
    %concatenate3A_82 = tpu.concatenate %dot_general3A_81, %dot_general3A_81 in 1 : vector<512x64xf32>, vector<512x64xf32> -> vector<512x128xf32>
    %get3A_83 = arith.constant 0 : index
    %get3A_84 = arith.constant 0 : index
    %get3A_85 = vector.load %arg6[%get3A_83, %get3A_84] : memref<128x128xf32, #tpu.memory_space<vmem>>, vector<128x128xf32>
    %dot_general3A_86 = arith.constant dense<0.000000e+00> : vector<14336x128xf32>
    %dot_general3A_87 = tpu.matmul %max3A_73, %get3A_85, %dot_general3A_86 {dimension_numbers = #tpu.dot_dimension_numbers<[1], [0], [0], [1], [0, 0, 1, 1], [], []>, transpose_lhs_hint = false} : vector<14336x128xf32>, vector<128x128xf32>, vector<14336x128xf32> -> vector<14336x128xf32>
    %reshape3A = vector.shape_cast %dot_general3A_87 : vector<14336x128xf32> to vector<512x28x128xf32>
    %broadcast_in_dim3A_88 = vector.shape_cast %concatenate3A_82 : vector<512x128xf32> to vector<512x1x128xf32>
    %add3A_89 = vector.broadcast %broadcast_in_dim3A_88 : vector<512x1x128xf32> to vector<512x28x128xf32>
    %add3A_90 = arith.addf %reshape3A, %add3A_89 : vector<512x28x128xf32>
    %get3A_91 = arith.constant 0 : index
    %get3A_92 = arith.constant 0 : index
    %get3A_93 = vector.load %arg14[%get3A_91, %get3A_92] : memref<1x128xf32, #tpu.memory_space<vmem>>, vector<1x128xf32>
    %broadcast_in_dim3A_94 = vector.shape_cast %get3A_93 : vector<1x128xf32> to vector<1x1x128xf32>
    %add3A_95 = vector.broadcast %broadcast_in_dim3A_94 : vector<1x1x128xf32> to vector<512x28x128xf32>
    %add3A_96 = arith.addf %add3A_90, %add3A_95 : vector<512x28x128xf32>
    %max3A_97 = arith.constant 0.000000e+00 : f32
    %max3A_98 = vector.broadcast %max3A_97 : f32 to vector<512x28x128xf32>
    %max3A_99 = arith.maximumf %add3A_96, %max3A_98 : vector<512x28x128xf32>
    %reshape3A_100 = vector.shape_cast %max3A_99 : vector<512x28x128xf32> to vector<14336x128xf32>
    %get3A_101 = arith.constant 0 : index
    %get3A_102 = arith.constant 0 : index
    %get3A_103 = vector.load %arg7[%get3A_101, %get3A_102] : memref<128x128xf32, #tpu.memory_space<vmem>>, vector<128x128xf32>
    %dot_general3A_104 = arith.constant dense<0.000000e+00> : vector<14336x128xf32>
    %dot_general3A_105 = tpu.matmul %reshape3A_100, %get3A_103, %dot_general3A_104 {dimension_numbers = #tpu.dot_dimension_numbers<[1], [0], [0], [1], [0, 0, 1, 1], [], []>, transpose_lhs_hint = false} : vector<14336x128xf32>, vector<128x128xf32>, vector<14336x128xf32> -> vector<14336x128xf32>
    %get3A_106 = arith.constant 0 : index
    %get3A_107 = arith.constant 0 : index
    %get3A_108 = vector.load %arg15[%get3A_106, %get3A_107] : memref<1x128xf32, #tpu.memory_space<vmem>>, vector<1x128xf32>
    %add3A_109 = vector.broadcast %get3A_108 : vector<1x128xf32> to vector<14336x128xf32>
    %add3A_110 = arith.addf %dot_general3A_105, %add3A_109 : vector<14336x128xf32>
    %max3A_111 = arith.constant 0.000000e+00 : f32
    %max3A_112 = vector.broadcast %max3A_111 : f32 to vector<14336x128xf32>
    %max3A_113 = arith.maximumf %add3A_110, %max3A_112 : vector<14336x128xf32>
    %get3A_114 = arith.constant 0 : index
    %get3A_115 = arith.constant 0 : index
    %get3A_116 = vector.load %arg8[%get3A_114, %get3A_115] : memref<128x2xf32, #tpu.memory_space<vmem>>, vector<128x2xf32>
    %dot_general3A_117 = arith.constant dense<0.000000e+00> : vector<14336x2xf32>
    %dot_general3A_118 = tpu.matmul %max3A_113, %get3A_116, %dot_general3A_117 {dimension_numbers = #tpu.dot_dimension_numbers<[1], [0], [0], [1], [0, 0, 1, 1], [], []>, transpose_lhs_hint = false} : vector<14336x128xf32>, vector<128x2xf32>, vector<14336x2xf32> -> vector<14336x2xf32>
    %reshape3A_119 = vector.shape_cast %dot_general3A_118 : vector<14336x2xf32> to vector<512x28x2xf32>
    %iota3A_120 = tpu.iota {dimensions = array<i32: 1>} : vector<512x28x2xi32>
    %iota3A_121 = tpu.iota {dimensions = array<i32: 2>} : vector<512x28x2xi32>
    %mul3A = arith.constant 2 : i32
    %mul3A_122 = vector.broadcast %mul3A : i32 to vector<512x28x2xi32>
    %mul3A_123 = arith.muli %mul3A_122, %iota3A_120 : vector<512x28x2xi32>
    %add3A_124 = arith.addi %mul3A_123, %iota3A_121 : vector<512x28x2xi32>
    %lt3A_125 = arith.constant 50 : i32
    %lt3A_126 = vector.broadcast %lt3A_125 : i32 to vector<512x28x2xi32>
    %lt3A_127 = arith.cmpi slt, %add3A_124, %lt3A_126 : vector<512x28x2xi32>
    %jit3A = arith.constant -1.000000e+30 : f32
    %broadcast_in_dim3A_128 = vector.broadcast %jit3A : f32 to vector<512x28x2xf32>
    %select_n3A_129 = arith.select %lt3A_127, %reshape3A_119, %broadcast_in_dim3A_128 : vector<512x28x2xi1>, vector<512x28x2xf32>
    %reduce_max3A = arith.constant dense<0xFF800000> : vector<512x28xf32>
    %reduce_max3A_130 = vector.multi_reduction <maximumf>, %select_n3A_129, %reduce_max3A [2] : vector<512x28x2xf32> to vector<512x28xf32>
    %broadcast_in_dim3A_131 = vector.shape_cast %reduce_max3A_130 : vector<512x28xf32> to vector<512x28x1xf32>
    %reduce_max3A_132 = arith.constant dense<0xFF800000> : vector<512x1xf32>
    %reduce_max3A_133 = vector.multi_reduction <maximumf>, %broadcast_in_dim3A_131, %reduce_max3A_132 [1] : vector<512x28x1xf32> to vector<512x1xf32>
    %broadcast_in_dim3A_134 = vector.shape_cast %reduce_max3A_133 : vector<512x1xf32> to vector<512x1x1xf32>
    %sub3A = vector.broadcast %broadcast_in_dim3A_134 : vector<512x1x1xf32> to vector<512x28x2xf32>
    %sub3A_135 = arith.subf %select_n3A_129, %sub3A : vector<512x28x2xf32>
    %exp3A = math.exp %sub3A_135 : vector<512x28x2xf32>
    %reduce_sum3A = arith.constant dense<0.000000e+00> : vector<512x2xf32>
    %reduce_sum3A_136 = vector.multi_reduction <add>, %exp3A, %reduce_sum3A [1] : vector<512x28x2xf32> to vector<512x2xf32>
    %slice3A_137 = vector.extract_strided_slice %reduce_sum3A_136 {offsets = [0, 0], sizes = [512, 1], strides = [1, 1]} : vector<512x2xf32> to vector<512x1xf32>
    %slice3A_138 = vector.extract_strided_slice %reduce_sum3A_136 {offsets = [0, 1], sizes = [512, 1], strides = [1, 1]} : vector<512x2xf32> to vector<512x1xf32>
    %add3A_139 = arith.addf %slice3A_137, %slice3A_138 : vector<512x1xf32>
    %iota3A_140 = tpu.iota {dimensions = array<i32: 2>} : vector<512x28x128xi32>
    %lt3A_141 = arith.constant 64 : i32
    %lt3A_142 = vector.broadcast %lt3A_141 : i32 to vector<512x28x128xi32>
    %lt3A_143 = arith.cmpi slt, %iota3A_140, %lt3A_142 : vector<512x28x128xi32>
    %slice3A_144 = vector.extract_strided_slice %exp3A {offsets = [0, 0, 0], sizes = [512, 28, 1], strides = [1, 1, 1]} : vector<512x28x2xf32> to vector<512x28x1xf32>
    %slice3A_145 = vector.extract_strided_slice %exp3A {offsets = [0, 0, 1], sizes = [512, 28, 1], strides = [1, 1, 1]} : vector<512x28x2xf32> to vector<512x28x1xf32>
    %broadcast_in_dim3A_146 = vector.shape_cast %slice3A_144 : vector<512x28x1xf32> to vector<512x28x1xf32>
    %broadcast_in_dim3A_147 = vector.broadcast %broadcast_in_dim3A_146 : vector<512x28x1xf32> to vector<512x28x128xf32>
    %broadcast_in_dim3A_148 = vector.shape_cast %slice3A_145 : vector<512x28x1xf32> to vector<512x28x1xf32>
    %broadcast_in_dim3A_149 = vector.broadcast %broadcast_in_dim3A_148 : vector<512x28x1xf32> to vector<512x28x128xf32>
    %select_n3A_150 = arith.select %lt3A_143, %broadcast_in_dim3A_147, %broadcast_in_dim3A_149 : vector<512x28x128xi1>, vector<512x28x128xf32>
    %reshape3A_151 = vector.shape_cast %max3A_73 : vector<14336x128xf32> to vector<512x28x128xf32>
    %mul3A_152 = arith.mulf %reshape3A_151, %select_n3A_150 : vector<512x28x128xf32>
    %reduce_sum3A_153 = arith.constant dense<0.000000e+00> : vector<512x128xf32>
    %reduce_sum3A_154 = vector.multi_reduction <add>, %mul3A_152, %reduce_sum3A_153 [1] : vector<512x28x128xf32> to vector<512x128xf32>
    %slice3A_155 = vector.extract_strided_slice %reduce_sum3A_154 {offsets = [0, 0], sizes = [512, 64], strides = [1, 1]} : vector<512x128xf32> to vector<512x64xf32>
    %slice3A_156 = vector.extract_strided_slice %reduce_sum3A_154 {offsets = [0, 64], sizes = [512, 64], strides = [1, 1]} : vector<512x128xf32> to vector<512x64xf32>
    %add3A_157 = arith.addf %slice3A_155, %slice3A_156 : vector<512x64xf32>
    %div3A = vector.broadcast %add3A_139 : vector<512x1xf32> to vector<512x64xf32>
    %div3A_158 = arith.divf %add3A_157, %div3A : vector<512x64xf32>
    %swap3A = arith.constant 0 : index
    %swap3A_159 = arith.constant 0 : index
    %swap3A_160 = vector.load %arg16[%swap3A, %swap3A_159] : memref<512x64xf32, #tpu.memory_space<vmem>>, vector<512x64xf32>
    tpu.vector_store %arg16[%swap3A, %swap3A_159], %div3A_158 {strides = array<i32>} : memref<512x64xf32, #tpu.memory_space<vmem>>, vector<512x64xf32>,
    return
  }
  func.func @transform_0(%arg0: i32) -> (i32, i32) {
    %c0_i32 = arith.constant 0 : i32
    %c0_i32_0 = arith.constant 0 : i32
    return %arg0, %c0_i32 : i32, i32
  }
  func.func @transform_1(%arg0: i32) -> (i32, i32) {
    %c0_i32 = arith.constant 0 : i32
    %c0_i32_0 = arith.constant 0 : i32
    return %arg0, %c0_i32 : i32, i32
  }
  func.func @transform_2(%arg0: i32) -> (i32, i32) {
    %c0_i32 = arith.constant 0 : i32
    %c0_i32_0 = arith.constant 0 : i32
    return %arg0, %c0_i32 : i32, i32
  }
  func.func @transform_3(%arg0: i32) -> (i32, i32) {
    %c0_i32 = arith.constant 0 : i32
    %c0_i32_0 = arith.constant 0 : i32
    %c0_i32_1 = arith.constant 0 : i32
    return %c0_i32, %c0_i32_0 : i32, i32
  }
  func.func @transform_4(%arg0: i32) -> (i32, i32) {
    %c0_i32 = arith.constant 0 : i32
    %c0_i32_0 = arith.constant 0 : i32
    %c0_i32_1 = arith.constant 0 : i32
    return %c0_i32, %c0_i32_0 : i32, i32
  }
  func.func @transform_5(%arg0: i32) -> (i32, i32) {
    %c0_i32 = arith.constant 0 : i32
    %c0_i32_0 = arith.constant 0 : i32
    %c0_i32_1 = arith.constant 0 : i32
    return %c0_i32, %c0_i32_0 : i32, i32
  }
  func.func @transform_6(%arg0: i32) -> (i32, i32) {
    %c0_i32 = arith.constant 0 : i32
    %c0_i32_0 = arith.constant 0 : i32
    %c0_i32_1 = arith.constant 0 : i32
    return %c0_i32, %c0_i32_0 : i32, i32
  }
  func.func @transform_7(%arg0: i32) -> (i32, i32) {
    %c0_i32 = arith.constant 0 : i32
    %c0_i32_0 = arith.constant 0 : i32
    %c0_i32_1 = arith.constant 0 : i32
    return %c0_i32, %c0_i32_0 : i32, i32
  }
  func.func @transform_8(%arg0: i32) -> (i32, i32) {
    %c0_i32 = arith.constant 0 : i32
    %c0_i32_0 = arith.constant 0 : i32
    %c0_i32_1 = arith.constant 0 : i32
    return %c0_i32, %c0_i32_0 : i32, i32
  }
  func.func @transform_9(%arg0: i32) -> (i32, i32) {
    %c0_i32 = arith.constant 0 : i32
    %c0_i32_0 = arith.constant 0 : i32
    %c0_i32_1 = arith.constant 0 : i32
    return %c0_i32, %c0_i32_0 : i32, i32
  }
  func.func @transform_10(%arg0: i32) -> (i32, i32) {
    %c0_i32 = arith.constant 0 : i32
    %c0_i32_0 = arith.constant 0 : i32
    %c0_i32_1 = arith.constant 0 : i32
    return %c0_i32, %c0_i32_0 : i32, i32
  }
  func.func @transform_11(%arg0: i32) -> (i32, i32) {
    %c0_i32 = arith.constant 0 : i32
    %c0_i32_0 = arith.constant 0 : i32
    %c0_i32_1 = arith.constant 0 : i32
    return %c0_i32, %c0_i32_0 : i32, i32
  }
  func.func @transform_12(%arg0: i32) -> (i32, i32) {
    %c0_i32 = arith.constant 0 : i32
    %c0_i32_0 = arith.constant 0 : i32
    %c0_i32_1 = arith.constant 0 : i32
    return %c0_i32, %c0_i32_0 : i32, i32
  }
  func.func @transform_13(%arg0: i32) -> (i32, i32) {
    %c0_i32 = arith.constant 0 : i32
    %c0_i32_0 = arith.constant 0 : i32
    %c0_i32_1 = arith.constant 0 : i32
    return %c0_i32, %c0_i32_0 : i32, i32
  }
  func.func @transform_14(%arg0: i32) -> (i32, i32) {
    %c0_i32 = arith.constant 0 : i32
    %c0_i32_0 = arith.constant 0 : i32
    %c0_i32_1 = arith.constant 0 : i32
    return %c0_i32, %c0_i32_0 : i32, i32
  }
  func.func @transform_15(%arg0: i32) -> (i32, i32) {
    %c0_i32 = arith.constant 0 : i32
    %c0_i32_0 = arith.constant 0 : i32
    return %arg0, %c0_i32 : i32, i32
  }
}

</mosaic_0001>

<sc_bundles>
// kernel: kernel.4.cloned.1.call-start
scs
__scs_entry_jumppad:
0x0: {  	(pc) =	sbr.rel $0x88, $3  }
0x1: {  	(tag) =	ssettag $0x0;
	lr =	simm.s32 $0x1  }
0x2: {  	[smem:$0x3F92] =	sst lr;
	_ =	strace $0xD0000000  }
0x3: {  	_ = 	snop  }
0x4: {  	_ = 	snop  }
0x5: {  	_ = 	snop  }
0x6: {  	_ = 	snop  }
0x7: {  	_ = 	snop  }
__scs_overlays_trampoline_lowered:
0x8: {  	[smem:$0x3FA1] =	sst s0  }
0x9: {  	[smem:$0x3FA2] =	sst s1  }
0xa: {  	[smem:$0x3FA3] =	sst s2  }
0xb: {  	[smem:$0x3FA4] =	sst s3  }
0xc: {  	[smem:$0x3FA5] =	sst s4  }
0xd: {  	[smem:$0x3FA6] =	sst s5  }
0xe: {  	[smem:$0x3FA7] =	sst s6  }
0xf: {  	[smem:$0x3FA8] =	sst s7  }
0x10: {  	[smem:$0x3FA9] =	sst s8  }
0x11: {  	[smem:$0x3FAA] =	sst s9;
	s0 =	simm.s32 @!p0 $0x0  }
0x12: {  	s1 =	sld [smem:$0x3F90];
	s0 =	simm.s32 @p0 $0x1  }
0x13: {  	[smem:$0x3FAB] =	sst s0;
	s0 =	simm.s32 @!p1 $0x0  }
0x14: {  	s2 =	sld [smem:$0x3F8F];
	s0 =	simm.s32 @p1 $0x1  }
0x15: {  	[smem:$0x3FAC] =	sst s0;
	s0 =	simm.s32 @!p2 $0x0  }
0x16: {  	s3 =	sld [smem:$0x3FDB];
	s0 =	simm.s32 @p2 $0x1  }
0x17: {  	s4 =	simm.s32 $0x1BF5;
	[smem:$0x3FAE] =	sst s0  }
0x18: {  	s0 =	sld [smem:$0x3F91];
	_ =	swait.ge [sflag:s4], $0x0  }
0x19: {  	s7 =	sld [smem:$0x3F92]  }
0x1a: {  	s8 =	sadd.s32 $0xFFFFE003, lr  }
0x1b: {  	s9 =	sadd.s32 $0xFFFFFEF7, lr;
	s5 =	simm.s32 $0xFFFFFFFF;
	p2 =	slt.u32 s8, $0xFFFFF086  }
0x1c: {  	p1 =	slt.u32 s9, $0xF7A;
	s5 =	simm.s32 @!p2 $0x0  }
0x1d: {  	s5 =	simm.s32 @p1 $0x1;
	p0 =	seq.s32 s7, s2  }
0x1e: {  	s7 =	smul.u32 @!p0 $0xF7A, s2;
	p2 =	seq.s32 @!p0 s5, $0x0  }
0x1f: {  	s9 =	smul.u32 $0xF7A, s1;
	s8 =	simm.s32 @!p0 $0x1BF5;
	p2 =	por !p2, p0  }
0x20: {  	[sflag:s8] =	ssyncset.s32 @!p0 $0xFFFFF086;
	s6 =	sadd.s32 @!p0 s3, s7;
	s7 =	simm.s32 @!p0 $0x108  }
0x21: {  	s3 =	sadd.s32 s3, s9;
	s6 =	sadd.s32 @!p0 $0x88, s6;
	s7 =	simm.s32 @p2 $0x1082  }
0x22: {  	[simem:s7], [sflag:s8] =	dma.local @!p0 [hbm:s6], $0xF7A  }
0x23: {  	s9 =	sor.u32 $0xD0000000, s2;
	s6 =	simm.s32 $0x108;
	_ =	swait.ge @!p0 [sflag:s8], $0x0  }
0x24: {  	s3 =	sadd.s32 $0x88, s3;
	s6 =	simm.s32 @!p1 $0x1082;
	[sflag:s4] =	ssyncset.s32 $0xFFFFF086  }
0x25: {  	[simem:s6], [sflag:s4] =	dma.local [hbm:s3], $0xF7A  }
0x26: {  	[smem:$0x3F92] =	sst s1;
	(tag) =	ssettag s2;
	_ =	strace s9  }
0x27: {  	s1 =	sld [smem:$0x3FA2]  }
0x28: {  	s2 =	sld [smem:$0x3FA3]  }
0x29: {  	s4 =	sld [smem:$0x3FA5]  }
0x2a: {  	p0 =	seq.s32 s5, $0x0;
	s5 =	sld [smem:$0x3FA6]  }
0x2b: {  	s6 =	sld [smem:$0x3FA7]  }
0x2c: {  	s7 =	sld [smem:$0x3FA8]  }
0x2d: {  	s3 =	simm.s32 $0x108;
	s8 =	sld [smem:$0x3FA9]  }
0x2e: {  	s3 =	simm.s32 @!p0 $0x1082;
	s9 =	sld [smem:$0x3FAA]  }
0x2f: {  	lr =	sadd.s32 s0, s3;
	s0 =	sld [smem:$0x3FA1]  }
0x30: {  	s3 =	sld [smem:$0x3FA4]  }
0x31: {  	[smem:$0x3FAD] =	sst s10  }
0x32: {  	s10 =	sld [smem:$0x3FAB];
	_ =	sdelay $0x3  }
0x33: {  	p0 =	seq.s32 s10, $0x1;
	s10 =	sld [smem:$0x3FAD];
	_ =	sdelay $0x3  }
0x34: {  	[smem:$0x3FAD] =	sst s10  }
0x35: {  	s10 =	sld [smem:$0x3FAC];
	_ =	sdelay $0x3  }
0x36: {  	p1 =	seq.s32 s10, $0x1;
	s10 =	sld [smem:$0x3FAD];
	_ =	sdelay $0x3  }
0x37: {  	[smem:$0x3FAD] =	sst s10  }
0x38: {  	s10 =	sld [smem:$0x3FAE]  }
0x39: {  	_ = 	snop;
	(pc) =	sbr.ind lr, $3  }
0x3a: {  	_ = 	snop  }
0x3b: {  	_ = 	snop  }
0x3c: {  	p2 =	seq.s32 s10, $0x1;
	s10 =	sld [smem:$0x3FAD]  }
0x3d: {  	_ =	shalt  }
0x3e: {  	_ =	shalt  }
0x3f: {  	_ =	shalt  }
0x40: {  	_ =	shalt  }
0x41: {  	_ =	shalt  }
0x42: {  	_ =	shalt  }
0x43: {  	_ =	shalt  }
0x44: {  	_ =	shalt  }
0x45: {  	_ =	shalt  }
0x46: {  	_ =	shalt  }
0x47: {  	_ =	shalt  }
0x48: {  	_ =	shalt  }
0x49: {  	_ =	shalt  }
0x4a: {  	_ =	shalt  }
0x4b: {  	_ =	shalt  }
0x4c: {  	_ =	shalt  }
0x4d: {  	_ =	shalt  }
0x4e: {  	_ =	shalt  }
0x4f: {  	_ =	shalt  }
0x50: {  	_ =	shalt  }
0x51: {  	_ =	shalt  }
0x52: {  	_ =	shalt  }
0x53: {  	_ =	shalt  }
0x54: {  	_ =	shalt  }
0x55: {  	_ =	shalt  }
0x56: {  	_ =	shalt  }
0x57: {  	_ =	shalt  }
0x58: {  	_ =	shalt  }
0x59: {  	_ =	shalt  }
0x5a: {  	_ =	shalt  }
0x5b: {  	_ =	shalt  }
0x5c: {  	_ =	shalt  }
0x5d: {  	_ =	shalt  }
0x5e: {  	_ =	shalt  }
0x5f: {  	_ =	shalt  }
0x60: {  	_ =	shalt  }
0x61: {  	_ =	shalt  }
0x62: {  	_ =	shalt  }
0x63: {  	_ =	shalt  }
0x64: {  	_ =	shalt  }
0x65: {  	_ =	shalt  }
0x66: {  	_ =	shalt  }
0x67: {  	_ =	shalt  }
0x68: {  	_ =	shalt  }
0x69: {  	_ =	shalt  }
0x6a: {  	_ =	shalt  }
0x6b: {  	_ =	shalt  }
0x6c: {  	_ =	shalt  }
0x6d: {  	_ =	shalt  }
0x6e: {  	_ =	shalt  }
0x6f: {  	_ =	shalt  }
0x70: {  	_ =	shalt  }
0x71: {  	_ =	shalt  }
0x72: {  	_ =	shalt  }
0x73: {  	_ =	shalt  }
0x74: {  	_ =	shalt  }
0x75: {  	_ =	shalt  }
0x76: {  	_ =	shalt  }
0x77: {  	_ =	shalt  }
0x78: {  	_ =	shalt  }
0x79: {  	_ =	shalt  }
0x7a: {  	_ =	shalt  }
0x7b: {  	_ =	shalt  }
0x7c: {  	_ =	shalt  }
0x7d: {  	_ =	shalt  }
0x7e: {  	_ =	shalt  }
0x7f: {  	_ =	shalt  }
0x80: {  	_ =	shalt  }
0x81: {  	_ =	shalt  }
0x82: {  	_ =	shalt  }
0x83: {  	_ =	shalt  }
0x84: {  	_ =	shalt  }
0x85: {  	_ =	shalt  }
0x86: {  	_ =	shalt  }
0x87: {  	_ =	shalt  }
.Lfunc_end0:
.L_simem_size_0:
called_computation_lowered:
.L_overlay_start_0:
0x88: {  	s2 =	sld [smem:$0x3FD9]  }
0x89: {  	s3 =	sld [smem:$0x3FFE];
	_ =	sdelay $0x1  }
0x8a: {  	s1 =	srdreg.scid  }
0x8b: {  	s0 =	sand.u32 $0x1, s1  }
0x8c: {  	s17 =	sshll.u32 s0, $0xA;
	s2 =	sadd.s32 s3, s2  }
0x8d: {  	s2 =	sadd.s32 s2, s17  }
0x8e: {  	[smem:$0x3FB9] =	sst s2  }
0x8f: {  	_ = 	snop  }
0x90: {  	s2 =	sld [smem:$0x3FC9]  }
0x91: {  	s18 =	sld [smem:$0x3FD0];
	(tm) =	ssettm $0x1  }
0x92: {  	s4 =	sld [smem:$0x3FFB];
	_ =	sdelay $0x3  }
0x93: {  	_ =	strace s4  }
0x94: {  	s4 =	sld [smem:$0x3FFC];
	_ =	sdelay $0x3  }
0x95: {  	_ =	strace s4  }
0x96: {  	s4 =	sld [smem:$0x3FFD];
	_ =	sdelay $0x3  }
0x97: {  	_ =	strace s4  }
0x98: {  	_ =	strace $0x8FFFFFFF  }
0x99: {  	s19 =	sld [smem:$0x3FDB];
	_ =	sdelay $0x1  }
0x9a: {  	s5 =	simm.s32 $_scs_section_size  }
0x9b: {  	s6 =	simm.s32 $_size__tile_overlayer_lowered;
	s7 =	simm.s32 $_tile_overlayer_lowered  }
0x9c: {  	s22 =	simm.s32 $0x1BFF;
	s21 =	sshll.u32 s7, $0x1;
	s4 =	sadd.s32 s5, s19  }
0x9d: {  	s8 =	simm.s32 $0x0;
	s20 =	sshll.u32 s6, $0x1;
	s6 =	sadd.s32 s21, s4  }
0x9e: {  	[timem:s8], [sflag:s22] =	dma.local [hbm:s6], s20  }
0x9f: {  	_ =	swait.ge [sflag:s22], s20  }
0xa0: {  	s5 =	ssub.s32 $0x0, s20;
	[sflag:s22] =	ssyncset.done $0x0  }
0xa1: {  	[sflag:s22] =	ssyncadd.s32 s5;
	_ =	sdelay $0x1  }
0xa2: {  	s23 =	simm.s32 $0x1B8B  }
0xa3: {  	_ =	swait.ge [sflag:s23], $0x1  }
0xa4: {  	[sflag:s23] =	ssyncset.done $0x0  }
0xa5: {  	s25 =	simm.s32 $0x1B8E;
	s24 =	sld [smem:$0x3FFE];
	[sflag:s23] =	ssyncadd.s32 $0xFFFFFFFF  }
0xa6: {  	s26 =	simm.s32 $execute0_lowered;
	[smem:$0x3FD2] =	sst s25  }
0xa7: {  	s6 =	sshll.u32 s26, $0x1;
	_ =	strace $0x80000046;
	[dreg:$0x1] =	wrdreg $0xFFFFFFFF  }
0xa8: {  	s28 =	simm.s32 $_size_execute0_lowered;
	s4 =	sadd.s32 s4, s6;
	[dreg:$0x0] =	wrdreg $0x0  }
0xa9: {  	s6 =	sshll.u32 s28, $0x1;
	[dreg:$0x2] =	wrdreg s4  }
0xaa: {  	[dreg:$0x3] =	wrdreg s6  }
0xab: {  	[dreg:$0x4] =	wrdreg $0xC0  }
0xac: {  	_ =	task [dreg:s8], $0x5FFFF  }
0xad: {  	[dreg:$0x1] =	wrdreg $0xFFFFFFFF  }
0xae: {  	[dreg:$0x0] =	wrdreg $0x60  }
0xaf: {  	[dreg:$0x2] =	wrdreg s24  }
0xb0: {  	[dreg:$0x3] =	wrdreg s2  }
0xb1: {  	[dreg:$0x4] =	wrdreg s18  }
0xb2: {  	[dreg:$0x5] =	wrdreg $0x9  }
0xb3: {  	_ =	task.clear_ibuf [dreg:s8], $0x6FFFF;
	_ =	strace $0x90000046  }
0xb4: {  	s29 =	simm.s32 $0x9;
	_ =	strace $0x80000048  }
0xb5: {  	_ =	swait.ge [sflag:s29], $0x1  }
0xb6: {  	[sflag:s29] =	ssyncadd.s32 $0xFFFFFFFF  }
0xb7: {  	_ =	strace $0x90000048  }
0xb8: {  	_ =	sfence  }
0xb9: {  	s30 =	sld [smem:$0x0];
	_ =	sdelay $0x2  }
0xba: {  	s31 =	sshll.u32 s1, $0xD;
	s1 =	sshrl.u32 s1, $0x2  }
0xbb: {  	s3 =	sand.u32 $0x4000, s31;
	s1 =	sadd.s32 s1, s30  }
0xbc: {  	s0 =	sor.u32 s3, s0;
	s1 =	sshll.u32 s1, $0x11  }
0xbd: {  	s0 =	sor.u32 s1, s0  }
0xbe: {  	s0 =	sadd.s32 $0x8F2B, s0  }
0xbf: {  	[sflag:s0] =	ssyncadd.remote.s32 $0x1  }
0xc0: {  	_ =	sfence.sel $0xFFFF  }
0xc1: {  	[dreg:$0x0] =	wrdreg $0xFFFFFFFF;
	(pc) =	sbr.abs _section_cstart, $3  }
0xc2: {  	[dreg:$0x1] =	wrdreg $0xFFFFFFFF  }
0xc3: {  	_ =	task.clear_ibuf [dreg:s8], $0x2FFFF;
	_ =	strace $0x9FFFFFFF  }
0xc4: {  	(tm) =	ssettm $0x7FFFFFFF  }
0xc5: {  	_ =	shalt  }
tec
execute0_lowered:
.L_overlay_start_1:
0x0: {  	(tag) =	ssettag $0x1  }
0x1: {  	s0 =	rddreg [dreg:$0x0]  }
0x2: {  	s1 =	srdreg.scid;
	s4 =	rddreg [dreg:$0x1]  }
0x3: {  	s11 =	stileid.u32;
	s5 =	rddreg [dreg:$0x2];
	s13 =	simm.s32 $0x8  }
0x4: {  	s14 =	simm.s32 $0x19C00;
	s15 =	simm.s32 $0x80;
	s16 =	simm.s32 $0x19C80  }
0x5: {  	s17 =	simm.s32 $0x1C00;
	s28 =	simm.s32 $0x2;
	s29 =	simm.s32 $0x4  }
0x6: {  	s30 =	simm.s32 $0x5;
	s31 =	simm.s32 $0x7;
	s1 =	sand.u32 $0x1, s1  }
0x7: {  	s2 =	sshll.u32 s11, $0x1;
	s3 =	sadd.s32 $0x24E800, s0;
	s11 =	smul.u32 $0xE0000, s11  }
0x8: {  	s6 =	sor.u32 s1, s2;
	s20 =	ssub.s32 $0x2, s1;
	s1 =	smul.u32 $0x70000, s1  }
0x9: {  	s8 =	sadd.s32 $0x18B200, s0;
	s2 =	simm.s32 $0x0;
	s7 =	smul.u32 $0x380, s6  }
0xa: {  	[smem:$0x7FF] =	sst s2;
	s9 =	smul.u32 $0x70000, s6;
	s10 =	sshrl.u32 s20, $0x1  }
0xb: {  	s21 =	sshll.u32 s6, $0x4;
	s22 =	smul.u32 $0xE000, s6;
	s26 =	sshll.u32 s6, $0xA  }
0xc: {  	_ =	strace $0x80000047;
	[dreg:$0x4] =	wrdreg s8;
	s12 =	ssub.s32 s20, s10  }
0xd: {  	s4 =	sadd.s32 s4, s21;
	s1 =	sadd.s32 s1, s11;
	s10 =	sadd.s32 s5, s26  }
0xe: {  	s26 =	simm.s32 $0x6;
	s7 =	sadd.s32 s7, s0;
	s0 =	sadd.s32 $0x311E00, s0  }
0xf: {  	s9 =	sshrl.u32 s9, $0x3;
	[dreg:$0x6] =	wrdreg s4;
	s1 =	sor.u32 $0x8000, s1  }
0x10: {  	s11 =	smax.u32 s12, $0x1;
	s7 =	sadd.s32 $0x4800, s7;
	s23 =	sadd.s32 s0, s9  }
0x11: {  	s24 =	sadd.s32 s0, s22;
	s1 =	sshrl.u32 s1, $0x3;
	[dreg:$0x5] =	wrdreg s7  }
0x12: {  	[dreg:$0x7] =	wrdreg s24;
	s25 =	sadd.s32 $0xC000, s23;
	s4 =	sadd.s32 $0xD000, s23  }
0x13: {  	s20 =	sadd.s32 s1, s0;
	s24 =	simm.s32 $0x9C00;
	[dreg:$0x8] =	wrdreg s25  }
0x14: {  	s1 =	simm.s32 $0x1;
	s0 =	simm.s32 $0x0;
	[dreg:$0x9] =	wrdreg s4  }
.LBB2_1:
0x15: {  	s4 =	rddreg [dreg:$0x5]  }
0x16: {  	[tilespmem:s2], [sflag:$0x8] =	stream.linear.gather [hbm4b:s4+s2], $0x1C00, $0x38;
	[tilespmem:$0x1BC80] =	vst v63  }
0x17: {  	_ =	swait.ge [sflag:s13], $0x1C00  }
0x18: {  	[sflag:s13] =	ssyncset.done $0x0  }
0x19: {  	s25 =	rddreg [dreg:$0x6];
	[sflag:s13] =	ssyncadd.s32 $0xFFFFE400  }
0x1a: {  	[tilespmem:s14], [sflag:$0x8] =	stream.linear.gather [hbm4b:s25+s2], $0x80, $0x38;
	[tilespmem:$0x1BC80] =	vst v63  }
0x1b: {  	_ =	swait.ge [sflag:s13], $0x80  }
0x1c: {  	[sflag:s13] =	ssyncset.done $0x0  }
0x1d: {  	s5 =	rddreg [dreg:$0x4];
	[sflag:s13] =	ssyncadd.s32 $0xFFFFFF80  }
0x1e: {  	[tilespmem:s16], [sflag:$0x7] =	stream.indirect.gather [hbm4b:s5+s15], $0x40, s14, s15, $0xb8;
	[tilespmem:$0x1BC80] =	vst v63  }
0x1f: {  	_ = 	snop  }
0x20: {  	[tilespmem:s17], [sflag:$0x1] =	stream.indirect.gather [hbm4b:s3+s15], $0x40, s2, s15, $0xb8;
	[tilespmem:$0x1BC80] =	vst v63  }
0x21: {  	s6 =	simm.s32 $0x3C00  }
0x22: {  	[tilespmem:s6], [sflag:$0x1] =	stream.indirect.gather [hbm4b:s3+s15], $0x40, s15, s15, $0xb8;
	[tilespmem:$0x1BC80] =	vst v63  }
0x23: {  	s7 =	simm.s32 $0x100;
	s5 =	simm.s32 $0x5C00  }
0x24: {  	[tilespmem:s5], [sflag:$0x1] =	stream.indirect.gather [hbm4b:s3+s15], $0x40, s7, s15, $0xb8;
	[tilespmem:$0x1BC80] =	vst v63  }
0x25: {  	s8 =	simm.s32 $0x180;
	s9 =	simm.s32 $0x7C00  }
0x26: {  	[tilespmem:s9], [sflag:$0x1] =	stream.indirect.gather [hbm4b:s3+s15], $0x40, s8, s15, $0xb8;
	[tilespmem:$0x1BC80] =	vst v63  }
0x27: {  	s12 =	simm.s32 $0x200  }
0x28: {  	[tilespmem:s24], [sflag:$0x2] =	stream.indirect.gather [hbm4b:s3+s15], $0x40, s12, s15, $0xb8;
	[tilespmem:$0x1BC80] =	vst v63  }
0x29: {  	s18 =	simm.s32 $0x280;
	s19 =	simm.s32 $0xBC00  }
0x2a: {  	[tilespmem:s19], [sflag:$0x2] =	stream.indirect.gather [hbm4b:s3+s15], $0x40, s18, s15, $0xb8;
	[tilespmem:$0x1BC80] =	vst v63  }
0x2b: {  	s21 =	simm.s32 $0x300;
	s22 =	simm.s32 $0xDC00;
	s12 =	simm.s32 $0x3  }
0x2c: {  	[tilespmem:s22], [sflag:$0x2] =	stream.indirect.gather [hbm4b:s3+s15], $0x40, s21, s15, $0xb8;
	[tilespmem:$0x1BC80] =	vst v63  }
0x2d: {  	s23 =	simm.s32 $0x380;
	s25 =	simm.s32 $0xFC00;
	s4 =	smul.u32 $0xAB, s12  }
0x2e: {  	[tilespmem:s25], [sflag:$0x2] =	stream.indirect.gather [hbm4b:s3+s15], $0x40, s23, s15, $0xb8;
	[tilespmem:$0x1BC80] =	vst v63  }
0x2f: {  	_ =	swait.ge [sflag:s1], $0x8000  }
0x30: {  	s19 =	sadd.s32 $0xFFFFFEAA, s4;
	[sflag:s1] =	ssyncset.done $0x0  }
0x31: {  	s4 =	sshrl.u32 s4, $0x9;
	s5 =	rddreg [dreg:$0x7];
	[sflag:s1] =	ssyncadd.s32 $0xFFFF8000  }
0x32: {  	[hbm4b:s5+s2] =	stream.linear.scatter [tilespmem:s17], [sflag:$0x4], $0x8000, $0x38;
	[tilespmem:$0x1BC80] =	vst v63  }
0x33: {  	s6 =	simm.s32 $0x400;
	s4 =	sand.u32 $0x7F, s4;
	s5 =	sshrl.u32 s19, $0x9  }
0x34: {  	s7 =	simm.s32 $0x11C00;
	s4 =	smul.u32 $0x3, s4;
	s5 =	sand.u32 $0x7F, s5  }
0x35: {  	[tilespmem:s7], [sflag:$0x3] =	stream.indirect.gather [hbm4b:s3+s15], $0x40, s6, s15, $0xb8;
	[tilespmem:$0x1BC80] =	vst v63  }
0x36: {  	s8 =	simm.s32 $0x480;
	s9 =	simm.s32 $0x13C00;
	s5 =	smul.u32 $0x3, s5  }
0x37: {  	[tilespmem:s9], [sflag:$0x3] =	stream.indirect.gather [hbm4b:s3+s15], $0x40, s8, s15, $0xb8;
	[tilespmem:$0x1BC80] =	vst v63  }
0x38: {  	s18 =	simm.s32 $0x500;
	s4 =	ssub.s32 $0x3, s4;
	s5 =	ssub.s32 $0x3, s5  }
0x39: {  	s4 =	sand.u32 $0xFF, s4;
	s6 =	simm.s32 $0x15C00;
	s5 =	sadd.s32 $0xFFFFFFFE, s5  }
0x3a: {  	[tilespmem:s6], [sflag:$0x3] =	stream.indirect.gather [hbm4b:s3+s15], $0x40, s18, s15, $0xb8;
	[tilespmem:$0x1BC80] =	vst v63  }
0x3b: {  	s21 =	simm.s32 $0x580;
	s25 =	sor.u32 $0x4, s4;
	s5 =	sand.u32 $0xFF, s5  }
0x3c: {  	s19 =	simm.s32 $0x4;
	s7 =	simm.s32 $0x17C00;
	s22 =	sadd.s32 $0x1, s5  }
0x3d: {  	[tilespmem:s7], [sflag:$0x3] =	stream.indirect.gather [hbm4b:s3+s15], $0x40, s21, s15, $0xb8;
	[tilespmem:$0x1BC80] =	vst v63  }
0x3e: {  	s12 =	smul.u32 $0xAB, s19;
	s9 =	simm.s32 $0x600;
	_ =	swait.ge [sflag:s22], $0x8000  }
0x3f: {  	s18 =	simm.s32 $0x800;
	s23 =	sshll.u32 s5, $0xF;
	[sflag:s22] =	ssyncset.done $0x0  }
0x40: {  	s5 =	sor.u32 $0x4, s5;
	s7 =	sor.u32 $0x1C00, s23;
	[sflag:s22] =	ssyncadd.s32 $0xFFFF8000  }
0x41: {  	[hbm4b:s20+s2] =	stream.linear.scatter [tilespmem:s7], [sflag:s5], $0x8000, $0x38;
	[tilespmem:$0x1BC80] =	vst v63  }
0x42: {  	s6 =	simm.s32 $0x700;
	s23 =	sadd.s32 $0x1, s4;
	_ =	swait.ge [sflag:s25], $0x8000  }
0x43: {  	s21 =	simm.s32 $0x680;
	s22 =	sshll.u32 s4, $0xF;
	[sflag:s25] =	ssyncset.done $0x0  }
0x44: {  	s8 =	sor.u32 $0x1C00, s22;
	s4 =	sor.u32 $0x5C00, s22;
	[sflag:s25] =	ssyncadd.s32 $0xFFFF8000  }
0x45: {  	[tilespmem:s8], [sflag:s23] =	stream.indirect.gather [hbm4b:s3+s15], $0x40, s9, s15, $0xb8;
	[tilespmem:$0x1BC80] =	vst v63  }
0x46: {  	s7 =	sadd.s32 $0xFFFFFEAA, s12;
	s5 =	sshrl.u32 s12, $0x9;
	s25 =	sor.u32 $0x3C00, s22  }
0x47: {  	[tilespmem:s25], [sflag:s23] =	stream.indirect.gather [hbm4b:s3+s15], $0x40, s21, s15, $0xb8;
	[tilespmem:$0x1BC80] =	vst v63  }
0x48: {  	s12 =	smov.u32 s20;
	s21 =	simm.s32 $0x1000;
	s25 =	simm.s32 $0x0  }
.LBB2_2:
0x49: {  	p0 =	sne.s32 s21, $0x5000;
	s7 =	sshrl.u32 s7, $0x9  }
0x4a: {  	s12 =	sadd.s32 $0x1000, s12;
	s8 =	smov.u32 s18;
	s18 =	smov.u32 s21  }
0x4b: {  	[tilespmem:s4], [sflag:s23] =	stream.indirect.gather [hbm4b:s3+s15], $0x40, s6, s15, $0xb8;
	[tilespmem:$0x1BC80] =	vst v63  }
0x4c: {  	s4 =	sand.u32 $0x7F, s7;
	s6 =	sor.u32 $0x7C00, s22;
	s7 =	sadd.s32 $0x780, s25  }
0x4d: {  	s21 =	sadd.s32 $0x800, s21;
	s4 =	smul.u32 $0x3, s4  }
0x4e: {  	[tilespmem:s6], [sflag:s23] =	stream.indirect.gather [hbm4b:s3+s15], $0x40, s7, s15, $0xb8;
	[tilespmem:$0x1BC80] =	vst v63  }
0x4f: {  	s5 =	sand.u32 $0x7F, s5;
	s4 =	ssub.s32 s19, s4  }
0x50: {  	s5 =	smul.u32 $0x3, s5;
	s4 =	sadd.s32 $0xFFFFFFFE, s4  }
0x51: {  	s4 =	sand.u32 $0xFF, s4  }
0x52: {  	s5 =	ssub.s32 s19, s5;
	s6 =	sadd.s32 $0x1, s4;
	s7 =	sshll.u32 s4, $0xF  }
0x53: {  	s25 =	sshra.s32 s8, $0x2;
	s5 =	sand.u32 $0xFF, s5;
	_ =	swait.ge [sflag:s6], $0x8000  }
0x54: {  	s22 =	sshll.u32 s5, $0xF;
	s7 =	sor.u32 $0x1C00, s7;
	[sflag:s6] =	ssyncset.done $0x0  }
0x55: {  	s4 =	sor.u32 $0x4, s4;
	[sflag:s6] =	ssyncadd.s32 $0xFFFF8000;
	s6 =	sor.u32 $0x4, s5  }
0x56: {  	[hbm4b:s12+s2] =	stream.linear.scatter [tilespmem:s7], [sflag:s4], $0x8000, $0x38;
	[tilespmem:$0x1BC80] =	vst v63  }
0x57: {  	s19 =	sadd.s32 $0x1, s19;
	s4 =	sor.u32 $0x5C00, s22;
	_ =	swait.ge [sflag:s6], $0x8000  }
0x58: {  	s23 =	sadd.s32 $0x1, s5;
	s5 =	smul.u32 $0xAB, s19;
	[sflag:s6] =	ssyncset.done $0x0  }
.Ltmp0:
0x59: {  	s8 =	sadd.s32 $0x680, s25;
	[sflag:s6] =	ssyncadd.s32 $0xFFFF8000;
	(pc) =	sbr.rel @p0 .LBB2_2-.Ltmp0, $4  }
0x5a: {  	s9 =	sadd.s32 $0x600, s25;
	s7 =	sor.u32 $0x1C00, s22;
	s6 =	sadd.s32 $0x700, s25  }
0x5b: {  	[tilespmem:s7], [sflag:s23] =	stream.indirect.gather [hbm4b:s3+s15], $0x40, s9, s15, $0xb8;
	[tilespmem:$0x1BC80] =	vst v63  }
0x5c: {  	s7 =	sadd.s32 $0xFFFFFEAA, s5;
	s5 =	sshrl.u32 s5, $0x9;
	s9 =	sor.u32 $0x3C00, s22  }
0x5d: {  	[tilespmem:s9], [sflag:s23] =	stream.indirect.gather [hbm4b:s3+s15], $0x40, s8, s15, $0xb8;
	[tilespmem:$0x1BC80] =	vst v63  }
0x5e: {  	[tilespmem:s4], [sflag:s23] =	stream.indirect.gather [hbm4b:s3+s15], $0x40, s6, s15, $0xb8;
	[tilespmem:$0x1BC80] =	vst v63  }
0x5f: {  	s6 =	sshrl.u32 s7, $0x9  }
0x60: {  	s4 =	sand.u32 $0x7F, s6  }
0x61: {  	s7 =	sor.u32 $0x7C00, s22;
	s8 =	sadd.s32 $0x780, s25;
	s4 =	smul.u32 $0x3, s4  }
0x62: {  	[tilespmem:s7], [sflag:s23] =	stream.indirect.gather [hbm4b:s3+s15], $0x40, s8, s15, $0xb8;
	[tilespmem:$0x1BC80] =	vst v63  }
0x63: {  	s5 =	sand.u32 $0x7F, s5;
	s4 =	ssub.s32 s19, s4  }
0x64: {  	s5 =	smul.u32 $0x3, s5;
	s4 =	sadd.s32 $0xFFFFFFFE, s4  }
0x65: {  	s4 =	sand.u32 $0xFF, s4  }
0x66: {  	s5 =	ssub.s32 s19, s5;
	s9 =	sadd.s32 $0x1, s4  }
0x67: {  	s12 =	sadd.s32 $0x1000, s12;
	s5 =	sand.u32 $0xFF, s5;
	_ =	swait.ge [sflag:s9], $0x8000  }
0x68: {  	s21 =	sor.u32 $0x4, s5;
	s19 =	sshll.u32 s4, $0xF;
	[sflag:s9] =	ssyncset.done $0x0  }
0x69: {  	s4 =	sor.u32 $0x4, s4;
	s6 =	sor.u32 $0x1C00, s19;
	[sflag:s9] =	ssyncadd.s32 $0xFFFF8000  }
0x6a: {  	[hbm4b:s12+s2] =	stream.linear.scatter [tilespmem:s6], [sflag:s4], $0x8000, $0x38;
	[tilespmem:$0x1BC80] =	vst v63  }
0x6b: {  	s23 =	sshra.s32 s18, $0x2;
	_ =	swait.ge [sflag:s21], $0x8000  }
0x6c: {  	s8 =	sadd.s32 $0x600, s23;
	s22 =	sshll.u32 s5, $0xF;
	[sflag:s21] =	ssyncset.done $0x0  }
0x6d: {  	s5 =	sadd.s32 $0x1, s5;
	s25 =	sor.u32 $0x1C00, s22;
	[sflag:s21] =	ssyncadd.s32 $0xFFFF8000  }
0x6e: {  	[tilespmem:s25], [sflag:s5] =	stream.indirect.gather [hbm4b:s3+s15], $0x40, s8, s15, $0xb8;
	[tilespmem:$0x1BC80] =	vst v63  }
0x6f: {  	s9 =	sadd.s32 $0x680, s23;
	s12 =	sor.u32 $0x3C00, s22  }
0x70: {  	[tilespmem:s12], [sflag:s5] =	stream.indirect.gather [hbm4b:s3+s15], $0x40, s9, s15, $0xb8;
	[tilespmem:$0x1BC80] =	vst v63  }
0x71: {  	s18 =	sor.u32 $0x5C00, s22;
	s19 =	sadd.s32 $0x700, s23  }
0x72: {  	[tilespmem:s18], [sflag:s5] =	stream.indirect.gather [hbm4b:s3+s15], $0x40, s19, s15, $0xb8;
	[tilespmem:$0x1BC80] =	vst v63  }
0x73: {  	s21 =	sor.u32 $0x7C00, s22;
	s22 =	sadd.s32 $0x780, s23  }
0x74: {  	[tilespmem:s21], [sflag:s5] =	stream.indirect.gather [hbm4b:s3+s15], $0x40, s22, s15, $0xb8;
	[tilespmem:$0x1BC80] =	vst v63  }
0x75: {  	_ =	swait.ge [sflag:s1], $0x8000  }
0x76: {  	[sflag:s1] =	ssyncset.done $0x0  }
0x77: {  	s23 =	rddreg [dreg:$0x8];
	[sflag:s1] =	ssyncadd.s32 $0xFFFF8000  }
0x78: {  	[hbm4b:s23+s2] =	stream.linear.scatter [tilespmem:s17], [sflag:$0x4], $0x8000, $0x38;
	[tilespmem:$0x1BC80] =	vst v63  }
0x79: {  	_ =	swait.ge [sflag:s26], $0x8000  }
0x7a: {  	[sflag:s26] =	ssyncset.done $0x0  }
0x7b: {  	[sflag:s26] =	ssyncadd.s32 $0xFFFF8000  }
0x7c: {  	_ =	swait.ge [sflag:s28], $0x8000  }
0x7d: {  	[sflag:s28] =	ssyncset.done $0x0  }
0x7e: {  	s25 =	rddreg [dreg:$0x9];
	[sflag:s28] =	ssyncadd.s32 $0xFFFF8000  }
0x7f: {  	[hbm4b:s25+s2] =	stream.linear.scatter [tilespmem:s24], [sflag:$0x5], $0x8000, $0x38;
	[tilespmem:$0x1BC80] =	vst v63  }
0x80: {  	_ =	swait.ge [sflag:s29], $0x8000  }
0x81: {  	[sflag:s29] =	ssyncset.done $0x0  }
0x82: {  	[sflag:s29] =	ssyncadd.s32 $0xFFFF8000  }
0x83: {  	_ =	swait.ge [sflag:s30], $0x8000  }
0x84: {  	[sflag:s30] =	ssyncset.done $0x0  }
0x85: {  	[sflag:s30] =	ssyncadd.s32 $0xFFFF8000  }
0x86: {  	s0 =	sadd.s32 $0x1, s0;
	_ =	swait.ge [sflag:s31], $0x2000  }
0x87: {  	p0 =	sne.s32 s0, s11;
	[sflag:s31] =	ssyncset.done $0x0  }
.Ltmp1:
0x88: {  	[sflag:s31] =	ssyncadd.s32 $0xFFFFE000;
	(pc) =	sbr.rel @p0 .LBB2_1-.Ltmp1, $4  }
0x89: {  	[hbm4b:s10+s2] =	stream.linear.scatter [tilespmem:s16], [sflag:$0x8], $0x2000, $0x38;
	[tilespmem:$0x1BC80] =	vst v63  }
0x8a: {  	_ =	swait.ge [sflag:s13], $0x2000  }
0x8b: {  	[sflag:s13] =	ssyncset.done $0x0  }
0x8c: {  	[sflag:s13] =	ssyncadd.s32 $0xFFFFE000  }
0x8d: {  	_ =	sfence.sel $0x180000  }
0x8e: {  	[bflag:$0x0] =	sbarrier.arrive $0xFFFF  }
0x8f: {  	_ =	strace $0x90000047  }
0x90: {  	s0 =	stileid.u32;
	[bflag:$0x2] =	sbarrier.arrive $0xFFFF  }
0x91: {  	p0 =	sne.s32 s0, $0x0;
	s0 =	rddreg [dreg:$0x3]  }
0x92: {  	s0 =	sadd.s32 @!p0 $0x100000, s0  }
0x93: {  	[sflag:s0] =	ssyncadd.tile.s32 @!p0 $0x1;
	_ =	shalt  }
.Lfunc_end2:
_tile_overlayer_lowered:
.L_overlay_start_2:
0x94: {  	(tag) =	ssettag $0x2  }
0x95: {  	s0 =	rddreg [dreg:$0x0];
	s2 =	stileid.u32  }
0x96: {  	s1 =	rddreg [dreg:$0x1];
	p0 =	sne.s32 s2, $0x0  }
0x97: {  	s3 =	rddreg [dreg:$0x2];
	[bflag:$0x3] =	sbarrier.arrive $0xFFFF;
	s2 =	simm.s32 @!p0 $0x1C08  }
0x98: {  	[timem:s3], [sflag:s2] =	dma.local @!p0 [hbm:s0], s1  }
0x99: {  	s0 =	simm.s32 @!p0 $0x8  }
0x9a: {  	_ =	swait.ge @!p0 [sflag:s0], s1  }
0x9b: {  	s1 =	ssub.s32 @!p0 $0x0, s1;
	[sflag:s0] =	ssyncset.done @!p0 $0x0  }
0x9c: {  	[sflag:s0] =	ssyncadd.s32 @!p0 s1  }
0x9d: {  	[bflag:$0x3] =	sbarrier.arrive $0xFFFF  }
0x9e: {  	_ =	shalt  }

</sc_bundles>
